<compile_context>
chip_gen: v7x
topology: tpu7x:2x2x1
jax: 0.10.2.dev20260603
libtpu: 0.0.44.dev20260713+nightly
codegen_flags: <defaults>
</compile_context>

<pallas_src>
import functools

import jax
import jax.numpy as jnp
from jax import lax
from jax.experimental import pallas as pl
from jax.experimental.pallas import tpu as pltpu
from jax.experimental.pallas import tpu_sc as plsc

N = 10000
D = 128
E = 320000
NC = 2
NS = 16
NW = NC * NS
CHUNK = 128
KCH = 80
EPAD = NW * KCH * CHUNK
TCH = EPAD // CHUNK
KC0 = 104
KC1 = 56
NPAD = 10240
DUMMY = N
RPT = NPAD // NS

_mesh = plsc.VectorSubcoreMesh(core_axis_name="c", subcore_axis_name="s")


def _sc_degree_body(cols_hbm, onehot_hbm, zeros_hbm, out_hbm, cols_v, src_v, zb_v, acc_sh):
    c = lax.axis_index("c")
    s = lax.axis_index("s")
    wid = s * NC + c
    pltpu.sync_copy(onehot_hbm, src_v)
    pltpu.sync_copy(zeros_hbm, zb_v)
    for m in range(RPT // CHUNK):
        pltpu.sync_copy(zb_v, acc_sh.at[pl.ds(s * RPT + m * CHUNK, CHUNK)])
    plsc.subcore_barrier()

    pltpu.sync_copy(cols_hbm.at[pl.ds(wid * KCH, KCH)], cols_v)

    def hist_body(j, carry):
        pltpu.sync_copy(src_v, acc_sh.at[cols_v.at[j]], add=True)
        return carry

    lax.fori_loop(0, KCH, hist_body, 0)
    plsc.subcore_barrier()
    pltpu.sync_copy(acc_sh.at[pl.ds(s * RPT, RPT)],
                    out_hbm.at[c, pl.ds(s * RPT, RPT)])


def _make_sc_degree(interpret=False):
    return pl.kernel(
        _sc_degree_body,
        out_type=jax.ShapeDtypeStruct((NC, NPAD, D), jnp.float32),
        mesh=_mesh,
        scratch_types=[
            pltpu.VMEM((KCH, CHUNK), jnp.int32),
            pltpu.VMEM((CHUNK, D), jnp.float32),
            pltpu.VMEM((CHUNK, D), jnp.float32),
            pltpu.VMEM_SHARED((NPAD, D), jnp.float32),
        ],
        interpret=interpret,
    )


_sc_degree = _make_sc_degree()


PCH = KCH // 2


def _sc_agg_body(u_hbm, rows_hbm, cols_hbm, out_hbm, rows_v, cols_v,
                 msg_a, acc_sh, sem):
    c = lax.axis_index("c")
    s = lax.axis_index("s")
    wid = s * NC + c
    zeros16 = jnp.zeros((16,), jnp.float32)

    def zero_body(i, carry):
        for k in range(D // 16):
            msg_a[i, pl.ds(k * 16, 16)] = zeros16
        return carry

    lax.fori_loop(0, CHUNK, zero_body, 0)
    for m in range(RPT // CHUNK):
        pltpu.sync_copy(msg_a, acc_sh.at[pl.ds(s * RPT + m * CHUNK, CHUNK)])
    plsc.subcore_barrier()

    def edge_body(j, carry):
        pltpu.async_copy(u_hbm.at[rows_v.at[j]], msg_a, sem).wait()
        pltpu.sync_copy(msg_a, acc_sh.at[cols_v.at[j]], add=True)
        return carry

    @pl.when(c == 0)
    def _():
        base = s * KC0
        pltpu.sync_copy(rows_hbm.at[pl.ds(base, KC0)], rows_v.at[pl.ds(0, KC0)])
        pltpu.sync_copy(cols_hbm.at[pl.ds(base, KC0)], cols_v.at[pl.ds(0, KC0)])
        lax.fori_loop(0, KC0, edge_body, 0)

    @pl.when(c == 1)
    def _():
        base = NS * KC0 + s * KC1
        pltpu.sync_copy(rows_hbm.at[pl.ds(base, KC1)], rows_v.at[pl.ds(0, KC1)])
        pltpu.sync_copy(cols_hbm.at[pl.ds(base, KC1)], cols_v.at[pl.ds(0, KC1)])
        lax.fori_loop(0, KC1, edge_body, 0)

    plsc.subcore_barrier()
    pltpu.sync_copy(acc_sh.at[pl.ds(s * RPT, RPT)],
                    out_hbm.at[c, pl.ds(s * RPT, RPT)])


def _make_sc_agg(interpret=False):
    return pl.kernel(
        _sc_agg_body,
        out_type=jax.ShapeDtypeStruct((NC, NPAD, D), jnp.float32),
        mesh=_mesh,
        scratch_types=[
            pltpu.VMEM((KC0, CHUNK), jnp.int32),
            pltpu.VMEM((KC0, CHUNK), jnp.int32),
            pltpu.VMEM((CHUNK, D), jnp.float32),
            pltpu.VMEM_SHARED((NPAD, D), jnp.float32),
            pltpu.SemaphoreType.DMA,
        ],
        interpret=interpret,
    )


_sc_agg = _make_sc_agg()


def _prescale_body(x_ref, d0_ref, d1_ref, u_ref, dinv_ref):
    deg = d0_ref[...][:, 0:1] + d1_ref[...][:, 0:1] + 1.0
    dinv = lax.rsqrt(deg)
    dinv_ref[...] = dinv
    u_ref[...] = x_ref[...] * dinv


_prescale = pl.pallas_call(
    _prescale_body,
    out_shape=[
        jax.ShapeDtypeStruct((NPAD, D), jnp.float32),
        jax.ShapeDtypeStruct((NPAD, 1), jnp.float32),
    ],
)

BLK = 1024


def _final_body(p0, p1, x_ref, dv_ref, w1, b1r, w2, b2r, o3, o1, o2):
    dinv = dv_ref[...]
    y = dinv * (p0[...] + p1[...]) + (dinv * dinv) * x_ref[...]
    h1 = jnp.maximum(
        jnp.dot(y, w1[...], preferred_element_type=jnp.float32) + b1r[...], 0.0)
    h2 = jnp.maximum(
        jnp.dot(y, w2[...], preferred_element_type=jnp.float32) + b2r[...], 0.0)
    o1[...] = h1
    o2[...] = h2
    o3[...] = h1 + h2


_final = pl.pallas_call(
    _final_body,
    grid=(NPAD // BLK,),
    in_specs=[
        pl.BlockSpec((BLK, D), lambda i: (i, 0)),
        pl.BlockSpec((BLK, D), lambda i: (i, 0)),
        pl.BlockSpec((BLK, D), lambda i: (i, 0)),
        pl.BlockSpec((BLK, 1), lambda i: (i, 0)),
        pl.BlockSpec((D, D), lambda i: (0, 0)),
        pl.BlockSpec((1, D), lambda i: (0, 0)),
        pl.BlockSpec((D, D), lambda i: (0, 0)),
        pl.BlockSpec((1, D), lambda i: (0, 0)),
    ],
    out_specs=[pl.BlockSpec((BLK, D), lambda i: (i, 0))] * 3,
    out_shape=[jax.ShapeDtypeStruct((NPAD, D), jnp.float32)] * 3,
)


def kernel(x, edge_index, W1, b1, W2, b2):
    ei = edge_index.astype(jnp.int32)
    rows = jnp.concatenate(
        [ei[0], jnp.zeros((EPAD - E,), jnp.int32)]).reshape(TCH, CHUNK)
    pad_cols = DUMMY + (jnp.arange(EPAD - E, dtype=jnp.int32) % (NPAD - DUMMY))
    cols = jnp.concatenate([ei[1], pad_cols]).reshape(TCH, CHUNK)
    xp = jnp.pad(x, ((0, NPAD - N), (0, 0)))

    onehot = jnp.zeros((CHUNK, D), jnp.float32).at[:, 0].set(1.0)
    zeros2d = jnp.zeros((CHUNK, D), jnp.float32)
    degp = _sc_degree(cols, onehot, zeros2d)
    u, dinv = _prescale(xp, degp[0], degp[1])
    segsum = _sc_agg(u, rows, cols)
    x3, x1, x2 = _final(segsum[0], segsum[1], xp, dinv,
                        W1, b1.reshape(1, D), W2, b2.reshape(1, D))
    return (x3[:N], x1[:N], x2[:N])

# --- scband reference (transcript-rebuilt; emitter-appended) ---
"""Pipeline reference for scband-crd-80530636800125 (READ-ONLY COPY).

The authoritative reference and input builder live on the scoring server;
editing this copy changes nothing except your own understanding.
"""

import jax, jax.numpy as jnp
import numpy as np

N_NODES = 10000
D_IN = 128
D_OUT = 128
N_EDGES = 320000


def gcn_conv(x, edge_index, W, b):
    # Faithful reimplementation of PyG GCNConv (add_self_loops=True, normalize=True)
    N = x.shape[0]
    row = edge_index[0]
    col = edge_index[1]
    loop = jnp.arange(N, dtype=row.dtype)
    row = jnp.concatenate([row, loop])
    col = jnp.concatenate([col, loop])
    ew = jnp.ones(row.shape[0], dtype=x.dtype)
    deg = jax.ops.segment_sum(ew, col, num_segments=N)
    deg_inv_sqrt = jnp.where(deg > 0, 1.0 / jnp.sqrt(deg), 0.0)
    norm = deg_inv_sqrt[row] * ew * deg_inv_sqrt[col]
    h = x @ W  # linear transform (bias handled after aggregation, as in PyG)
    msg = h[row] * norm[:, None]
    out = jax.ops.segment_sum(msg, col, num_segments=N)
    return out + b


def setup_inputs(seed: int = 0) -> dict:
    key = jax.random.key(seed)
    k1, k2, k3, k4, k5 = jax.random.split(key, 5)
    x = jax.random.normal(k1, (N_NODES, D_IN), dtype=jnp.float32)
    edge_index = jax.random.randint(k2, (2, N_EDGES), 0, N_NODES, dtype=jnp.int64)
    # Glorot-style init for GCN weights, zero bias (PyG default)
    scale = float(np.sqrt(6.0 / (D_IN + D_OUT)))
    W1 = jax.random.uniform(k3, (D_IN, D_OUT), dtype=jnp.float32, minval=-scale, maxval=scale)
    W2 = jax.random.uniform(k4, (D_IN, D_OUT), dtype=jnp.float32, minval=-scale, maxval=scale)
    b1 = jnp.zeros((D_OUT,), dtype=jnp.float32)
    b2 = jnp.zeros((D_OUT,), dtype=jnp.float32)
    return {"x": x, "edge_index": edge_index, "W1": W1, "b1": b1, "W2": W2, "b2": b2}


def reference(x, edge_index, W1, b1, W2, b2):
    x_1 = jax.nn.relu(gcn_conv(x, edge_index, W1, b1))
    x_2 = jax.nn.relu(gcn_conv(x, edge_index, W2, b2))
    # F.dropout in eval mode is identity (deterministic reference)
    x_3 = x_1 + x_2
    return (x_3, x_1, x_2)

if __name__ == "__main__":
    import jax
    _d = setup_inputs()
    print(jax.jit(kernel)(*tuple(_d.values())))

</pallas_src>

<mosaic_0001>
#map = affine_map<(d0, d1) -> (0, 0)>
#map1 = affine_map<(d0, d1) -> (0, 0, 0)>
module attributes {stable_mosaic.version = 14 : i64} {
  func.func @_sc_agg_body(%arg0: i32, %arg1: i32, %arg2: memref<10240x128xf32, #tpu.memory_space<hbm>>, %arg3: memref<2560x128xi32, #tpu.memory_space<hbm>>, %arg4: memref<2560x128xi32, #tpu.memory_space<hbm>>, %arg5: memref<2x10240x128xf32, #tpu.memory_space<hbm>>, %arg6: memref<104x128xi32, #tpu.memory_space<vmem>>, %arg7: memref<104x128xi32, #tpu.memory_space<vmem>>, %arg8: memref<128x128xf32, #tpu.memory_space<vmem>>, %arg9: memref<10240x128xf32, #tpu.memory_space<vmem_shared>>, %arg10: memref<!tpu.dma_semaphore, #tpu.memory_space<semaphore_mem>>) attributes {dimension_semantics = [#tpu.dimension_semantics<core_parallel>, #tpu.dimension_semantics<subcore_parallel>], iteration_bounds = array<i64: 2, 16>, scalar_prefetch = 0 : i64, scratch_operands = 5 : i64, tpu.core_type = #tpu.core_type<sc_vector_subcore>, window_params = [{transform_indices = #map}, {transform_indices = #map}, {transform_indices = #map}, {transform_indices = #map1}]} {
    %mul3A = arith.constant 2 : i32
    %mul3A_0 = arith.muli %arg1, %mul3A : i32
    %add3A = arith.addi %mul3A_0, %arg0 : i32
    %broadcast_in_dim3A = arith.constant 0.000000e+00 : f32
    %broadcast_in_dim3A_1 = vector.broadcast %broadcast_in_dim3A : f32 to vector<16xf32>
    %scan3A = arith.constant 0 : i32
    %scan3A_2 = arith.constant 0 : i32
    %scan3A_3 = arith.constant 128 : i32
    %scan3A_4 = arith.addi %scan3A_2, %scan3A_3 : i32
    %scan3A_5 = arith.constant 1 : i32
    scf.for %scan3A_39 = %scan3A_2 to %scan3A_4 step %scan3A_5  : i32 {
      %swap3A = arith.index_cast %scan3A_39 : i32 to index
      %swap3A_40 = arith.constant 0 : index
      %swap3A_41 = tpu.vector_load %arg8[%swap3A, %swap3A_40] {strides = array<i32>} : memref<128x128xf32, #tpu.memory_space<vmem>>, vector<1x16xf32>,
      %swap3A_42 = vector.shape_cast %swap3A_41 : vector<1x16xf32> to vector<16xf32>
      %swap3A_43 = vector.shape_cast %broadcast_in_dim3A_1 : vector<16xf32> to vector<1x16xf32>
      tpu.vector_store %arg8[%swap3A, %swap3A_40], %swap3A_43 {strides = array<i32>} : memref<128x128xf32, #tpu.memory_space<vmem>>, vector<1x16xf32>,
      %swap3A_44 = arith.index_cast %scan3A_39 : i32 to index
      %swap3A_45 = arith.constant 16 : index
      %swap3A_46 = tpu.vector_load %arg8[%swap3A_44, %swap3A_45] {strides = array<i32>} : memref<128x128xf32, #tpu.memory_space<vmem>>, vector<1x16xf32>,
      %swap3A_47 = vector.shape_cast %swap3A_46 : vector<1x16xf32> to vector<16xf32>
      %swap3A_48 = vector.shape_cast %broadcast_in_dim3A_1 : vector<16xf32> to vector<1x16xf32>
      tpu.vector_store %arg8[%swap3A_44, %swap3A_45], %swap3A_48 {strides = array<i32>} : memref<128x128xf32, #tpu.memory_space<vmem>>, vector<1x16xf32>,
      %swap3A_49 = arith.index_cast %scan3A_39 : i32 to index
      %swap3A_50 = arith.constant 32 : index
      %swap3A_51 = tpu.vector_load %arg8[%swap3A_49, %swap3A_50] {strides = array<i32>} : memref<128x128xf32, #tpu.memory_space<vmem>>, vector<1x16xf32>,
      %swap3A_52 = vector.shape_cast %swap3A_51 : vector<1x16xf32> to vector<16xf32>
      %swap3A_53 = vector.shape_cast %broadcast_in_dim3A_1 : vector<16xf32> to vector<1x16xf32>
      tpu.vector_store %arg8[%swap3A_49, %swap3A_50], %swap3A_53 {strides = array<i32>} : memref<128x128xf32, #tpu.memory_space<vmem>>, vector<1x16xf32>,
      %swap3A_54 = arith.index_cast %scan3A_39 : i32 to index
      %swap3A_55 = arith.constant 48 : index
      %swap3A_56 = tpu.vector_load %arg8[%swap3A_54, %swap3A_55] {strides = array<i32>} : memref<128x128xf32, #tpu.memory_space<vmem>>, vector<1x16xf32>,
      %swap3A_57 = vector.shape_cast %swap3A_56 : vector<1x16xf32> to vector<16xf32>
      %swap3A_58 = vector.shape_cast %broadcast_in_dim3A_1 : vector<16xf32> to vector<1x16xf32>
      tpu.vector_store %arg8[%swap3A_54, %swap3A_55], %swap3A_58 {strides = array<i32>} : memref<128x128xf32, #tpu.memory_space<vmem>>, vector<1x16xf32>,
      %swap3A_59 = arith.index_cast %scan3A_39 : i32 to index
      %swap3A_60 = arith.constant 64 : index
      %swap3A_61 = tpu.vector_load %arg8[%swap3A_59, %swap3A_60] {strides = array<i32>} : memref<128x128xf32, #tpu.memory_space<vmem>>, vector<1x16xf32>,
      %swap3A_62 = vector.shape_cast %swap3A_61 : vector<1x16xf32> to vector<16xf32>
      %swap3A_63 = vector.shape_cast %broadcast_in_dim3A_1 : vector<16xf32> to vector<1x16xf32>
      tpu.vector_store %arg8[%swap3A_59, %swap3A_60], %swap3A_63 {strides = array<i32>} : memref<128x128xf32, #tpu.memory_space<vmem>>, vector<1x16xf32>,
      %swap3A_64 = arith.index_cast %scan3A_39 : i32 to index
      %swap3A_65 = arith.constant 80 : index
      %swap3A_66 = tpu.vector_load %arg8[%swap3A_64, %swap3A_65] {strides = array<i32>} : memref<128x128xf32, #tpu.memory_space<vmem>>, vector<1x16xf32>,
      %swap3A_67 = vector.shape_cast %swap3A_66 : vector<1x16xf32> to vector<16xf32>
      %swap3A_68 = vector.shape_cast %broadcast_in_dim3A_1 : vector<16xf32> to vector<1x16xf32>
      tpu.vector_store %arg8[%swap3A_64, %swap3A_65], %swap3A_68 {strides = array<i32>} : memref<128x128xf32, #tpu.memory_space<vmem>>, vector<1x16xf32>,
      %swap3A_69 = arith.index_cast %scan3A_39 : i32 to index
      %swap3A_70 = arith.constant 96 : index
      %swap3A_71 = tpu.vector_load %arg8[%swap3A_69, %swap3A_70] {strides = array<i32>} : memref<128x128xf32, #tpu.memory_space<vmem>>, vector<1x16xf32>,
      %swap3A_72 = vector.shape_cast %swap3A_71 : vector<1x16xf32> to vector<16xf32>
      %swap3A_73 = vector.shape_cast %broadcast_in_dim3A_1 : vector<16xf32> to vector<1x16xf32>
      tpu.vector_store %arg8[%swap3A_69, %swap3A_70], %swap3A_73 {strides = array<i32>} : memref<128x128xf32, #tpu.memory_space<vmem>>, vector<1x16xf32>,
      %swap3A_74 = arith.index_cast %scan3A_39 : i32 to index
      %swap3A_75 = arith.constant 112 : index
      %swap3A_76 = tpu.vector_load %arg8[%swap3A_74, %swap3A_75] {strides = array<i32>} : memref<128x128xf32, #tpu.memory_space<vmem>>, vector<1x16xf32>,
      %swap3A_77 = vector.shape_cast %swap3A_76 : vector<1x16xf32> to vector<16xf32>
      %swap3A_78 = vector.shape_cast %broadcast_in_dim3A_1 : vector<16xf32> to vector<1x16xf32>
      tpu.vector_store %arg8[%swap3A_74, %swap3A_75], %swap3A_78 {strides = array<i32>} : memref<128x128xf32, #tpu.memory_space<vmem>>, vector<1x16xf32>,
    }
    %scan3A_6 = arith.constant 128 : i32
    %mul3A_7 = arith.constant 640 : i32
    %mul3A_8 = arith.muli %arg1, %mul3A_7 : i32
    %add3A_9 = arith.constant 0 : i32
    %add3A_10 = arith.addi %mul3A_8, %add3A_9 : i32
    "tpu.region"() ({
      %run_scoped3A = tpu.sem_alloc : memref<!tpu.dma_semaphore, #tpu.memory_space<semaphore_mem>>
      %dma_start3A = arith.constant 0 : i32
      %dma_start3A_39 = tpu.memref_slice %arg9[%add3A_10, %dma_start3A] : memref<10240x128xf32, #tpu.memory_space<vmem_shared>> -> memref<128x128xf32, #tpu.memory_space<vmem_shared>>
      %dma_start3A_40 = arith.constant 0 : i32
      %dma_start3A_41 = tpu.memref_slice %arg9[%add3A_10, %dma_start3A_40] : memref<10240x128xf32, #tpu.memory_space<vmem_shared>> -> memref<128x128xf32, #tpu.memory_space<vmem_shared>>
      tpu.enqueue_dma source(%arg8 : memref<128x128xf32, #tpu.memory_space<vmem>>) target(%dma_start3A_41 : memref<128x128xf32, #tpu.memory_space<vmem_shared>>) target_semaphore(%run_scoped3A : memref<!tpu.dma_semaphore, #tpu.memory_space<semaphore_mem>>)
      %dma_wait3A = arith.constant 0 : i32
      %dma_wait3A_42 = tpu.memref_slice %arg9[%add3A_10, %dma_wait3A] : memref<10240x128xf32, #tpu.memory_space<vmem_shared>> -> memref<128x128xf32, #tpu.memory_space<vmem_shared>>
      %dma_wait3A_43 = arith.constant 0 : i32
      %dma_wait3A_44 = tpu.memref_slice %arg9[%add3A_10, %dma_wait3A_43] : memref<10240x128xf32, #tpu.memory_space<vmem_shared>> -> memref<128x128xf32, #tpu.memory_space<vmem_shared>>
      tpu.wait_dma2 semaphore(%run_scoped3A : memref<!tpu.dma_semaphore, #tpu.memory_space<semaphore_mem>>) src(%arg8 : memref<128x128xf32, #tpu.memory_space<vmem>>) dst(%dma_wait3A_44 : memref<128x128xf32, #tpu.memory_space<vmem_shared>>)
      tpu.yield
    }) : () -> ()
    %mul3A_11 = arith.constant 640 : i32
    %mul3A_12 = arith.muli %arg1, %mul3A_11 : i32
    %add3A_13 = arith.constant 128 : i32
    %add3A_14 = arith.addi %mul3A_12, %add3A_13 : i32
    "tpu.region"() ({
      %run_scoped3A = tpu.sem_alloc : memref<!tpu.dma_semaphore, #tpu.memory_space<semaphore_mem>>
      %dma_start3A = arith.constant 0 : i32
      %dma_start3A_39 = tpu.memref_slice %arg9[%add3A_14, %dma_start3A] : memref<10240x128xf32, #tpu.memory_space<vmem_shared>> -> memref<128x128xf32, #tpu.memory_space<vmem_shared>>
      %dma_start3A_40 = arith.constant 0 : i32
      %dma_start3A_41 = tpu.memref_slice %arg9[%add3A_14, %dma_start3A_40] : memref<10240x128xf32, #tpu.memory_space<vmem_shared>> -> memref<128x128xf32, #tpu.memory_space<vmem_shared>>
      tpu.enqueue_dma source(%arg8 : memref<128x128xf32, #tpu.memory_space<vmem>>) target(%dma_start3A_41 : memref<128x128xf32, #tpu.memory_space<vmem_shared>>) target_semaphore(%run_scoped3A : memref<!tpu.dma_semaphore, #tpu.memory_space<semaphore_mem>>)
      %dma_wait3A = arith.constant 0 : i32
      %dma_wait3A_42 = tpu.memref_slice %arg9[%add3A_14, %dma_wait3A] : memref<10240x128xf32, #tpu.memory_space<vmem_shared>> -> memref<128x128xf32, #tpu.memory_space<vmem_shared>>
      %dma_wait3A_43 = arith.constant 0 : i32
      %dma_wait3A_44 = tpu.memref_slice %arg9[%add3A_14, %dma_wait3A_43] : memref<10240x128xf32, #tpu.memory_space<vmem_shared>> -> memref<128x128xf32, #tpu.memory_space<vmem_shared>>
      tpu.wait_dma2 semaphore(%run_scoped3A : memref<!tpu.dma_semaphore, #tpu.memory_space<semaphore_mem>>) src(%arg8 : memref<128x128xf32, #tpu.memory_space<vmem>>) dst(%dma_wait3A_44 : memref<128x128xf32, #tpu.memory_space<vmem_shared>>)
      tpu.yield
    }) : () -> ()
    %mul3A_15 = arith.constant 640 : i32
    %mul3A_16 = arith.muli %arg1, %mul3A_15 : i32
    %add3A_17 = arith.constant 256 : i32
    %add3A_18 = arith.addi %mul3A_16, %add3A_17 : i32
    "tpu.region"() ({
      %run_scoped3A = tpu.sem_alloc : memref<!tpu.dma_semaphore, #tpu.memory_space<semaphore_mem>>
      %dma_start3A = arith.constant 0 : i32
      %dma_start3A_39 = tpu.memref_slice %arg9[%add3A_18, %dma_start3A] : memref<10240x128xf32, #tpu.memory_space<vmem_shared>> -> memref<128x128xf32, #tpu.memory_space<vmem_shared>>
      %dma_start3A_40 = arith.constant 0 : i32
      %dma_start3A_41 = tpu.memref_slice %arg9[%add3A_18, %dma_start3A_40] : memref<10240x128xf32, #tpu.memory_space<vmem_shared>> -> memref<128x128xf32, #tpu.memory_space<vmem_shared>>
      tpu.enqueue_dma source(%arg8 : memref<128x128xf32, #tpu.memory_space<vmem>>) target(%dma_start3A_41 : memref<128x128xf32, #tpu.memory_space<vmem_shared>>) target_semaphore(%run_scoped3A : memref<!tpu.dma_semaphore, #tpu.memory_space<semaphore_mem>>)
      %dma_wait3A = arith.constant 0 : i32
      %dma_wait3A_42 = tpu.memref_slice %arg9[%add3A_18, %dma_wait3A] : memref<10240x128xf32, #tpu.memory_space<vmem_shared>> -> memref<128x128xf32, #tpu.memory_space<vmem_shared>>
      %dma_wait3A_43 = arith.constant 0 : i32
      %dma_wait3A_44 = tpu.memref_slice %arg9[%add3A_18, %dma_wait3A_43] : memref<10240x128xf32, #tpu.memory_space<vmem_shared>> -> memref<128x128xf32, #tpu.memory_space<vmem_shared>>
      tpu.wait_dma2 semaphore(%run_scoped3A : memref<!tpu.dma_semaphore, #tpu.memory_space<semaphore_mem>>) src(%arg8 : memref<128x128xf32, #tpu.memory_space<vmem>>) dst(%dma_wait3A_44 : memref<128x128xf32, #tpu.memory_space<vmem_shared>>)
      tpu.yield
    }) : () -> ()
    %mul3A_19 = arith.constant 640 : i32
    %mul3A_20 = arith.muli %arg1, %mul3A_19 : i32
    %add3A_21 = arith.constant 384 : i32
    %add3A_22 = arith.addi %mul3A_20, %add3A_21 : i32
    "tpu.region"() ({
      %run_scoped3A = tpu.sem_alloc : memref<!tpu.dma_semaphore, #tpu.memory_space<semaphore_mem>>
      %dma_start3A = arith.constant 0 : i32
      %dma_start3A_39 = tpu.memref_slice %arg9[%add3A_22, %dma_start3A] : memref<10240x128xf32, #tpu.memory_space<vmem_shared>> -> memref<128x128xf32, #tpu.memory_space<vmem_shared>>
      %dma_start3A_40 = arith.constant 0 : i32
      %dma_start3A_41 = tpu.memref_slice %arg9[%add3A_22, %dma_start3A_40] : memref<10240x128xf32, #tpu.memory_space<vmem_shared>> -> memref<128x128xf32, #tpu.memory_space<vmem_shared>>
      tpu.enqueue_dma source(%arg8 : memref<128x128xf32, #tpu.memory_space<vmem>>) target(%dma_start3A_41 : memref<128x128xf32, #tpu.memory_space<vmem_shared>>) target_semaphore(%run_scoped3A : memref<!tpu.dma_semaphore, #tpu.memory_space<semaphore_mem>>)
      %dma_wait3A = arith.constant 0 : i32
      %dma_wait3A_42 = tpu.memref_slice %arg9[%add3A_22, %dma_wait3A] : memref<10240x128xf32, #tpu.memory_space<vmem_shared>> -> memref<128x128xf32, #tpu.memory_space<vmem_shared>>
      %dma_wait3A_43 = arith.constant 0 : i32
      %dma_wait3A_44 = tpu.memref_slice %arg9[%add3A_22, %dma_wait3A_43] : memref<10240x128xf32, #tpu.memory_space<vmem_shared>> -> memref<128x128xf32, #tpu.memory_space<vmem_shared>>
      tpu.wait_dma2 semaphore(%run_scoped3A : memref<!tpu.dma_semaphore, #tpu.memory_space<semaphore_mem>>) src(%arg8 : memref<128x128xf32, #tpu.memory_space<vmem>>) dst(%dma_wait3A_44 : memref<128x128xf32, #tpu.memory_space<vmem_shared>>)
      tpu.yield
    }) : () -> ()
    %mul3A_23 = arith.constant 640 : i32
    %mul3A_24 = arith.muli %arg1, %mul3A_23 : i32
    %add3A_25 = arith.constant 512 : i32
    %add3A_26 = arith.addi %mul3A_24, %add3A_25 : i32
    "tpu.region"() ({
      %run_scoped3A = tpu.sem_alloc : memref<!tpu.dma_semaphore, #tpu.memory_space<semaphore_mem>>
      %dma_start3A = arith.constant 0 : i32
      %dma_start3A_39 = tpu.memref_slice %arg9[%add3A_26, %dma_start3A] : memref<10240x128xf32, #tpu.memory_space<vmem_shared>> -> memref<128x128xf32, #tpu.memory_space<vmem_shared>>
      %dma_start3A_40 = arith.constant 0 : i32
      %dma_start3A_41 = tpu.memref_slice %arg9[%add3A_26, %dma_start3A_40] : memref<10240x128xf32, #tpu.memory_space<vmem_shared>> -> memref<128x128xf32, #tpu.memory_space<vmem_shared>>
      tpu.enqueue_dma source(%arg8 : memref<128x128xf32, #tpu.memory_space<vmem>>) target(%dma_start3A_41 : memref<128x128xf32, #tpu.memory_space<vmem_shared>>) target_semaphore(%run_scoped3A : memref<!tpu.dma_semaphore, #tpu.memory_space<semaphore_mem>>)
      %dma_wait3A = arith.constant 0 : i32
      %dma_wait3A_42 = tpu.memref_slice %arg9[%add3A_26, %dma_wait3A] : memref<10240x128xf32, #tpu.memory_space<vmem_shared>> -> memref<128x128xf32, #tpu.memory_space<vmem_shared>>
      %dma_wait3A_43 = arith.constant 0 : i32
      %dma_wait3A_44 = tpu.memref_slice %arg9[%add3A_26, %dma_wait3A_43] : memref<10240x128xf32, #tpu.memory_space<vmem_shared>> -> memref<128x128xf32, #tpu.memory_space<vmem_shared>>
      tpu.wait_dma2 semaphore(%run_scoped3A : memref<!tpu.dma_semaphore, #tpu.memory_space<semaphore_mem>>) src(%arg8 : memref<128x128xf32, #tpu.memory_space<vmem>>) dst(%dma_wait3A_44 : memref<128x128xf32, #tpu.memory_space<vmem_shared>>)
      tpu.yield
    }) : () -> ()
    %barrier3A = arith.constant 0 : index
    tpu.barrier barrier_id(%barrier3A)
    %eq3A = arith.constant 0 : i32
    %eq3A_27 = arith.cmpi eq, %arg0, %eq3A : i32
    %convert_element_type3A = arith.extui %eq3A_27 : i1 to i32
    %cond3A = arith.constant 0 : i32
    %cond3A_28 = arith.cmpi ne, %convert_element_type3A, %cond3A : i32
    scf.if %cond3A_28 {
      %mul3A_39 = arith.constant 104 : i32
      %mul3A_40 = arith.muli %arg1, %mul3A_39 : i32
      "tpu.region"() ({
        %run_scoped3A = tpu.sem_alloc : memref<!tpu.dma_semaphore, #tpu.memory_space<semaphore_mem>>
        %dma_start3A = arith.constant 0 : i32
        %dma_start3A_47 = arith.constant 0 : i32
        %dma_start3A_48 = tpu.memref_slice %arg6[%dma_start3A, %dma_start3A_47] : memref<104x128xi32, #tpu.memory_space<vmem>> -> memref<104x128xi32, #tpu.memory_space<vmem>>
        %dma_start3A_49 = arith.constant 0 : i32
        %dma_start3A_50 = tpu.memref_slice %arg3[%mul3A_40, %dma_start3A_49] : memref<2560x128xi32, #tpu.memory_space<hbm>> -> memref<104x128xi32, #tpu.memory_space<hbm>>
        %dma_start3A_51 = arith.constant 0 : i32
        %dma_start3A_52 = arith.constant 0 : i32
        %dma_start3A_53 = tpu.memref_slice %arg6[%dma_start3A_51, %dma_start3A_52] : memref<104x128xi32, #tpu.memory_space<vmem>> -> memref<104x128xi32, #tpu.memory_space<vmem>>
        %dma_start3A_54 = arith.constant 0 : i32
        %dma_start3A_55 = tpu.memref_slice %arg3[%mul3A_40, %dma_start3A_54] : memref<2560x128xi32, #tpu.memory_space<hbm>> -> memref<104x128xi32, #tpu.memory_space<hbm>>
        tpu.enqueue_dma source(%dma_start3A_55 : memref<104x128xi32, #tpu.memory_space<hbm>>) target(%dma_start3A_53 : memref<104x128xi32, #tpu.memory_space<vmem>>) target_semaphore(%run_scoped3A : memref<!tpu.dma_semaphore, #tpu.memory_space<semaphore_mem>>)
        %dma_wait3A = arith.constant 0 : i32
        %dma_wait3A_56 = arith.constant 0 : i32
        %dma_wait3A_57 = tpu.memref_slice %arg6[%dma_wait3A, %dma_wait3A_56] : memref<104x128xi32, #tpu.memory_space<vmem>> -> memref<104x128xi32, #tpu.memory_space<vmem>>
        %dma_wait3A_58 = arith.constant 0 : i32
        %dma_wait3A_59 = tpu.memref_slice %arg3[%mul3A_40, %dma_wait3A_58] : memref<2560x128xi32, #tpu.memory_space<hbm>> -> memref<104x128xi32, #tpu.memory_space<hbm>>
        %dma_wait3A_60 = arith.constant 0 : i32
        %dma_wait3A_61 = arith.constant 0 : i32
        %dma_wait3A_62 = tpu.memref_slice %arg6[%dma_wait3A_60, %dma_wait3A_61] : memref<104x128xi32, #tpu.memory_space<vmem>> -> memref<104x128xi32, #tpu.memory_space<vmem>>
        %dma_wait3A_63 = arith.constant 0 : i32
        %dma_wait3A_64 = tpu.memref_slice %arg3[%mul3A_40, %dma_wait3A_63] : memref<2560x128xi32, #tpu.memory_space<hbm>> -> memref<104x128xi32, #tpu.memory_space<hbm>>
        tpu.wait_dma2 semaphore(%run_scoped3A : memref<!tpu.dma_semaphore, #tpu.memory_space<semaphore_mem>>) src(%dma_wait3A_64 : memref<104x128xi32, #tpu.memory_space<hbm>>) dst(%dma_wait3A_62 : memref<104x128xi32, #tpu.memory_space<vmem>>)
        tpu.yield
      }) : () -> ()
      "tpu.region"() ({
        %run_scoped3A = tpu.sem_alloc : memref<!tpu.dma_semaphore, #tpu.memory_space<semaphore_mem>>
        %dma_start3A = arith.constant 0 : i32
        %dma_start3A_47 = arith.constant 0 : i32
        %dma_start3A_48 = tpu.memref_slice %arg7[%dma_start3A, %dma_start3A_47] : memref<104x128xi32, #tpu.memory_space<vmem>> -> memref<104x128xi32, #tpu.memory_space<vmem>>
        %dma_start3A_49 = arith.constant 0 : i32
        %dma_start3A_50 = tpu.memref_slice %arg4[%mul3A_40, %dma_start3A_49] : memref<2560x128xi32, #tpu.memory_space<hbm>> -> memref<104x128xi32, #tpu.memory_space<hbm>>
        %dma_start3A_51 = arith.constant 0 : i32
        %dma_start3A_52 = arith.constant 0 : i32
        %dma_start3A_53 = tpu.memref_slice %arg7[%dma_start3A_51, %dma_start3A_52] : memref<104x128xi32, #tpu.memory_space<vmem>> -> memref<104x128xi32, #tpu.memory_space<vmem>>
        %dma_start3A_54 = arith.constant 0 : i32
        %dma_start3A_55 = tpu.memref_slice %arg4[%mul3A_40, %dma_start3A_54] : memref<2560x128xi32, #tpu.memory_space<hbm>> -> memref<104x128xi32, #tpu.memory_space<hbm>>
        tpu.enqueue_dma source(%dma_start3A_55 : memref<104x128xi32, #tpu.memory_space<hbm>>) target(%dma_start3A_53 : memref<104x128xi32, #tpu.memory_space<vmem>>) target_semaphore(%run_scoped3A : memref<!tpu.dma_semaphore, #tpu.memory_space<semaphore_mem>>)
        %dma_wait3A = arith.constant 0 : i32
        %dma_wait3A_56 = arith.constant 0 : i32
        %dma_wait3A_57 = tpu.memref_slice %arg7[%dma_wait3A, %dma_wait3A_56] : memref<104x128xi32, #tpu.memory_space<vmem>> -> memref<104x128xi32, #tpu.memory_space<vmem>>
        %dma_wait3A_58 = arith.constant 0 : i32
        %dma_wait3A_59 = tpu.memref_slice %arg4[%mul3A_40, %dma_wait3A_58] : memref<2560x128xi32, #tpu.memory_space<hbm>> -> memref<104x128xi32, #tpu.memory_space<hbm>>
        %dma_wait3A_60 = arith.constant 0 : i32
        %dma_wait3A_61 = arith.constant 0 : i32
        %dma_wait3A_62 = tpu.memref_slice %arg7[%dma_wait3A_60, %dma_wait3A_61] : memref<104x128xi32, #tpu.memory_space<vmem>> -> memref<104x128xi32, #tpu.memory_space<vmem>>
        %dma_wait3A_63 = arith.constant 0 : i32
        %dma_wait3A_64 = tpu.memref_slice %arg4[%mul3A_40, %dma_wait3A_63] : memref<2560x128xi32, #tpu.memory_space<hbm>> -> memref<104x128xi32, #tpu.memory_space<hbm>>
        tpu.wait_dma2 semaphore(%run_scoped3A : memref<!tpu.dma_semaphore, #tpu.memory_space<semaphore_mem>>) src(%dma_wait3A_64 : memref<104x128xi32, #tpu.memory_space<hbm>>) dst(%dma_wait3A_62 : memref<104x128xi32, #tpu.memory_space<vmem>>)
        tpu.yield
      }) : () -> ()
      %scan3A_41 = arith.constant 0 : i32
      %scan3A_42 = arith.constant 0 : i32
      %scan3A_43 = arith.constant 104 : i32
      %scan3A_44 = arith.addi %scan3A_42, %scan3A_43 : i32
      %scan3A_45 = arith.constant 1 : i32
      scf.for %scan3A_47 = %scan3A_42 to %scan3A_44 step %scan3A_45  : i32 {
        %dma_start3A = arith.constant 0 : i32
        %dma_start3A_48 = tpu.memref_slice %arg6[%scan3A_47, %dma_start3A] : memref<104x128xi32, #tpu.memory_space<vmem>> -> memref<1x128xi32, #tpu.memory_space<vmem>>
        %dma_start3A_49 = tpu.memref_squeeze %dma_start3A_48 : memref<1x128xi32, #tpu.memory_space<vmem>> -> memref<128xi32, #tpu.memory_space<vmem>>
        %dma_start3A_50 = arith.constant 0 : i32
        %dma_start3A_51 = arith.constant 0 : i32
        %dma_start3A_52 = tpu.memref_slice %arg2[%dma_start3A_50, %dma_start3A_51] : memref<10240x128xf32, #tpu.memory_space<hbm>> -> memref<10240x128xf32, #tpu.memory_space<hbm>>
        tpu.enqueue_indirect_dma source(%dma_start3A_52 : memref<10240x128xf32, #tpu.memory_space<hbm>>) target(%arg8 : memref<128x128xf32, #tpu.memory_space<vmem>>) offsets(%dma_start3A_49 : memref<128xi32, #tpu.memory_space<vmem>>) semaphore(%arg10 : memref<!tpu.dma_semaphore, #tpu.memory_space<semaphore_mem>>)
        %dma_wait3A = arith.constant 0 : i32
        %dma_wait3A_53 = tpu.memref_slice %arg6[%scan3A_47, %dma_wait3A] : memref<104x128xi32, #tpu.memory_space<vmem>> -> memref<1x128xi32, #tpu.memory_space<vmem>>
        %dma_wait3A_54 = tpu.memref_squeeze %dma_wait3A_53 : memref<1x128xi32, #tpu.memory_space<vmem>> -> memref<128xi32, #tpu.memory_space<vmem>>
        %dma_wait3A_55 = arith.constant 0 : i32
        %dma_wait3A_56 = arith.constant 0 : i32
        %dma_wait3A_57 = tpu.memref_slice %arg2[%dma_wait3A_55, %dma_wait3A_56] : memref<10240x128xf32, #tpu.memory_space<hbm>> -> memref<10240x128xf32, #tpu.memory_space<hbm>>
        tpu.wait_indirect_dma semaphore(%arg10 : memref<!tpu.dma_semaphore, #tpu.memory_space<semaphore_mem>>) src(%dma_wait3A_57 : memref<10240x128xf32, #tpu.memory_space<hbm>>) dst(%arg8 : memref<128x128xf32, #tpu.memory_space<vmem>>)
        "tpu.region"() ({
          %run_scoped3A = tpu.sem_alloc : memref<!tpu.dma_semaphore, #tpu.memory_space<semaphore_mem>>
          %dma_start3A_58 = arith.constant 0 : i32
          %dma_start3A_59 = tpu.memref_slice %arg7[%scan3A_47, %dma_start3A_58] : memref<104x128xi32, #tpu.memory_space<vmem>> -> memref<1x128xi32, #tpu.memory_space<vmem>>
          %dma_start3A_60 = tpu.memref_squeeze %dma_start3A_59 : memref<1x128xi32, #tpu.memory_space<vmem>> -> memref<128xi32, #tpu.memory_space<vmem>>
          %dma_start3A_61 = arith.constant 0 : i32
          %dma_start3A_62 = arith.constant 0 : i32
          %dma_start3A_63 = tpu.memref_slice %arg9[%dma_start3A_61, %dma_start3A_62] : memref<10240x128xf32, #tpu.memory_space<vmem_shared>> -> memref<10240x128xf32, #tpu.memory_space<vmem_shared>>
          tpu.enqueue_indirect_dma source(%arg8 : memref<128x128xf32, #tpu.memory_space<vmem>>) target(%dma_start3A_63 : memref<10240x128xf32, #tpu.memory_space<vmem_shared>>) offsets(%dma_start3A_60 : memref<128xi32, #tpu.memory_space<vmem>>) semaphore(%run_scoped3A : memref<!tpu.dma_semaphore, #tpu.memory_space<semaphore_mem>>) {add = true}
          %dma_wait3A_64 = arith.constant 0 : i32
          %dma_wait3A_65 = tpu.memref_slice %arg7[%scan3A_47, %dma_wait3A_64] : memref<104x128xi32, #tpu.memory_space<vmem>> -> memref<1x128xi32, #tpu.memory_space<vmem>>
          %dma_wait3A_66 = tpu.memref_squeeze %dma_wait3A_65 : memref<1x128xi32, #tpu.memory_space<vmem>> -> memref<128xi32, #tpu.memory_space<vmem>>
          %dma_wait3A_67 = arith.constant 0 : i32
          %dma_wait3A_68 = arith.constant 0 : i32
          %dma_wait3A_69 = tpu.memref_slice %arg9[%dma_wait3A_67, %dma_wait3A_68] : memref<10240x128xf32, #tpu.memory_space<vmem_shared>> -> memref<10240x128xf32, #tpu.memory_space<vmem_shared>>
          tpu.wait_indirect_dma semaphore(%run_scoped3A : memref<!tpu.dma_semaphore, #tpu.memory_space<semaphore_mem>>) src(%arg8 : memref<128x128xf32, #tpu.memory_space<vmem>>) dst(%dma_wait3A_69 : memref<10240x128xf32, #tpu.memory_space<vmem_shared>>)
          tpu.yield
        }) : () -> ()
      }
      %scan3A_46 = arith.constant 104 : i32
    } else {
    }
    %eq3A_29 = arith.constant 1 : i32
    %eq3A_30 = arith.cmpi eq, %arg0, %eq3A_29 : i32
    %convert_element_type3A_31 = arith.extui %eq3A_30 : i1 to i32
    %cond3A_32 = arith.constant 0 : i32
    %cond3A_33 = arith.cmpi ne, %convert_element_type3A_31, %cond3A_32 : i32
    scf.if %cond3A_33 {
      %mul3A_39 = arith.constant 56 : i32
      %mul3A_40 = arith.muli %arg1, %mul3A_39 : i32
      %add3A_41 = arith.constant 1664 : i32
      %add3A_42 = arith.addi %add3A_41, %mul3A_40 : i32
      "tpu.region"() ({
        %run_scoped3A = tpu.sem_alloc : memref<!tpu.dma_semaphore, #tpu.memory_space<semaphore_mem>>
        %dma_start3A = arith.constant 0 : i32
        %dma_start3A_49 = arith.constant 0 : i32
        %dma_start3A_50 = tpu.memref_slice %arg6[%dma_start3A, %dma_start3A_49] : memref<104x128xi32, #tpu.memory_space<vmem>> -> memref<56x128xi32, #tpu.memory_space<vmem>>
        %dma_start3A_51 = arith.constant 0 : i32
        %dma_start3A_52 = tpu.memref_slice %arg3[%add3A_42, %dma_start3A_51] : memref<2560x128xi32, #tpu.memory_space<hbm>> -> memref<56x128xi32, #tpu.memory_space<hbm>>
        %dma_start3A_53 = arith.constant 0 : i32
        %dma_start3A_54 = arith.constant 0 : i32
        %dma_start3A_55 = tpu.memref_slice %arg6[%dma_start3A_53, %dma_start3A_54] : memref<104x128xi32, #tpu.memory_space<vmem>> -> memref<56x128xi32, #tpu.memory_space<vmem>>
        %dma_start3A_56 = arith.constant 0 : i32
        %dma_start3A_57 = tpu.memref_slice %arg3[%add3A_42, %dma_start3A_56] : memref<2560x128xi32, #tpu.memory_space<hbm>> -> memref<56x128xi32, #tpu.memory_space<hbm>>
        tpu.enqueue_dma source(%dma_start3A_57 : memref<56x128xi32, #tpu.memory_space<hbm>>) target(%dma_start3A_55 : memref<56x128xi32, #tpu.memory_space<vmem>>) target_semaphore(%run_scoped3A : memref<!tpu.dma_semaphore, #tpu.memory_space<semaphore_mem>>)
        %dma_wait3A = arith.constant 0 : i32
        %dma_wait3A_58 = arith.constant 0 : i32
        %dma_wait3A_59 = tpu.memref_slice %arg6[%dma_wait3A, %dma_wait3A_58] : memref<104x128xi32, #tpu.memory_space<vmem>> -> memref<56x128xi32, #tpu.memory_space<vmem>>
        %dma_wait3A_60 = arith.constant 0 : i32
        %dma_wait3A_61 = tpu.memref_slice %arg3[%add3A_42, %dma_wait3A_60] : memref<2560x128xi32, #tpu.memory_space<hbm>> -> memref<56x128xi32, #tpu.memory_space<hbm>>
        %dma_wait3A_62 = arith.constant 0 : i32
        %dma_wait3A_63 = arith.constant 0 : i32
        %dma_wait3A_64 = tpu.memref_slice %arg6[%dma_wait3A_62, %dma_wait3A_63] : memref<104x128xi32, #tpu.memory_space<vmem>> -> memref<56x128xi32, #tpu.memory_space<vmem>>
        %dma_wait3A_65 = arith.constant 0 : i32
        %dma_wait3A_66 = tpu.memref_slice %arg3[%add3A_42, %dma_wait3A_65] : memref<2560x128xi32, #tpu.memory_space<hbm>> -> memref<56x128xi32, #tpu.memory_space<hbm>>
        tpu.wait_dma2 semaphore(%run_scoped3A : memref<!tpu.dma_semaphore, #tpu.memory_space<semaphore_mem>>) src(%dma_wait3A_66 : memref<56x128xi32, #tpu.memory_space<hbm>>) dst(%dma_wait3A_64 : memref<56x128xi32, #tpu.memory_space<vmem>>)
        tpu.yield
      }) : () -> ()
      "tpu.region"() ({
        %run_scoped3A = tpu.sem_alloc : memref<!tpu.dma_semaphore, #tpu.memory_space<semaphore_mem>>
        %dma_start3A = arith.constant 0 : i32
        %dma_start3A_49 = arith.constant 0 : i32
        %dma_start3A_50 = tpu.memref_slice %arg7[%dma_start3A, %dma_start3A_49] : memref<104x128xi32, #tpu.memory_space<vmem>> -> memref<56x128xi32, #tpu.memory_space<vmem>>
        %dma_start3A_51 = arith.constant 0 : i32
        %dma_start3A_52 = tpu.memref_slice %arg4[%add3A_42, %dma_start3A_51] : memref<2560x128xi32, #tpu.memory_space<hbm>> -> memref<56x128xi32, #tpu.memory_space<hbm>>
        %dma_start3A_53 = arith.constant 0 : i32
        %dma_start3A_54 = arith.constant 0 : i32
        %dma_start3A_55 = tpu.memref_slice %arg7[%dma_start3A_53, %dma_start3A_54] : memref<104x128xi32, #tpu.memory_space<vmem>> -> memref<56x128xi32, #tpu.memory_space<vmem>>
        %dma_start3A_56 = arith.constant 0 : i32
        %dma_start3A_57 = tpu.memref_slice %arg4[%add3A_42, %dma_start3A_56] : memref<2560x128xi32, #tpu.memory_space<hbm>> -> memref<56x128xi32, #tpu.memory_space<hbm>>
        tpu.enqueue_dma source(%dma_start3A_57 : memref<56x128xi32, #tpu.memory_space<hbm>>) target(%dma_start3A_55 : memref<56x128xi32, #tpu.memory_space<vmem>>) target_semaphore(%run_scoped3A : memref<!tpu.dma_semaphore, #tpu.memory_space<semaphore_mem>>)
        %dma_wait3A = arith.constant 0 : i32
        %dma_wait3A_58 = arith.constant 0 : i32
        %dma_wait3A_59 = tpu.memref_slice %arg7[%dma_wait3A, %dma_wait3A_58] : memref<104x128xi32, #tpu.memory_space<vmem>> -> memref<56x128xi32, #tpu.memory_space<vmem>>
        %dma_wait3A_60 = arith.constant 0 : i32
        %dma_wait3A_61 = tpu.memref_slice %arg4[%add3A_42, %dma_wait3A_60] : memref<2560x128xi32, #tpu.memory_space<hbm>> -> memref<56x128xi32, #tpu.memory_space<hbm>>
        %dma_wait3A_62 = arith.constant 0 : i32
        %dma_wait3A_63 = arith.constant 0 : i32
        %dma_wait3A_64 = tpu.memref_slice %arg7[%dma_wait3A_62, %dma_wait3A_63] : memref<104x128xi32, #tpu.memory_space<vmem>> -> memref<56x128xi32, #tpu.memory_space<vmem>>
        %dma_wait3A_65 = arith.constant 0 : i32
        %dma_wait3A_66 = tpu.memref_slice %arg4[%add3A_42, %dma_wait3A_65] : memref<2560x128xi32, #tpu.memory_space<hbm>> -> memref<56x128xi32, #tpu.memory_space<hbm>>
        tpu.wait_dma2 semaphore(%run_scoped3A : memref<!tpu.dma_semaphore, #tpu.memory_space<semaphore_mem>>) src(%dma_wait3A_66 : memref<56x128xi32, #tpu.memory_space<hbm>>) dst(%dma_wait3A_64 : memref<56x128xi32, #tpu.memory_space<vmem>>)
        tpu.yield
      }) : () -> ()
      %scan3A_43 = arith.constant 0 : i32
      %scan3A_44 = arith.constant 0 : i32
      %scan3A_45 = arith.constant 56 : i32
      %scan3A_46 = arith.addi %scan3A_44, %scan3A_45 : i32
      %scan3A_47 = arith.constant 1 : i32
      scf.for %scan3A_49 = %scan3A_44 to %scan3A_46 step %scan3A_47  : i32 {
        %dma_start3A = arith.constant 0 : i32
        %dma_start3A_50 = tpu.memref_slice %arg6[%scan3A_49, %dma_start3A] : memref<104x128xi32, #tpu.memory_space<vmem>> -> memref<1x128xi32, #tpu.memory_space<vmem>>
        %dma_start3A_51 = tpu.memref_squeeze %dma_start3A_50 : memref<1x128xi32, #tpu.memory_space<vmem>> -> memref<128xi32, #tpu.memory_space<vmem>>
        %dma_start3A_52 = arith.constant 0 : i32
        %dma_start3A_53 = arith.constant 0 : i32
        %dma_start3A_54 = tpu.memref_slice %arg2[%dma_start3A_52, %dma_start3A_53] : memref<10240x128xf32, #tpu.memory_space<hbm>> -> memref<10240x128xf32, #tpu.memory_space<hbm>>
        tpu.enqueue_indirect_dma source(%dma_start3A_54 : memref<10240x128xf32, #tpu.memory_space<hbm>>) target(%arg8 : memref<128x128xf32, #tpu.memory_space<vmem>>) offsets(%dma_start3A_51 : memref<128xi32, #tpu.memory_space<vmem>>) semaphore(%arg10 : memref<!tpu.dma_semaphore, #tpu.memory_space<semaphore_mem>>)
        %dma_wait3A = arith.constant 0 : i32
        %dma_wait3A_55 = tpu.memref_slice %arg6[%scan3A_49, %dma_wait3A] : memref<104x128xi32, #tpu.memory_space<vmem>> -> memref<1x128xi32, #tpu.memory_space<vmem>>
        %dma_wait3A_56 = tpu.memref_squeeze %dma_wait3A_55 : memref<1x128xi32, #tpu.memory_space<vmem>> -> memref<128xi32, #tpu.memory_space<vmem>>
        %dma_wait3A_57 = arith.constant 0 : i32
        %dma_wait3A_58 = arith.constant 0 : i32
        %dma_wait3A_59 = tpu.memref_slice %arg2[%dma_wait3A_57, %dma_wait3A_58] : memref<10240x128xf32, #tpu.memory_space<hbm>> -> memref<10240x128xf32, #tpu.memory_space<hbm>>
        tpu.wait_indirect_dma semaphore(%arg10 : memref<!tpu.dma_semaphore, #tpu.memory_space<semaphore_mem>>) src(%dma_wait3A_59 : memref<10240x128xf32, #tpu.memory_space<hbm>>) dst(%arg8 : memref<128x128xf32, #tpu.memory_space<vmem>>)
        "tpu.region"() ({
          %run_scoped3A = tpu.sem_alloc : memref<!tpu.dma_semaphore, #tpu.memory_space<semaphore_mem>>
          %dma_start3A_60 = arith.constant 0 : i32
          %dma_start3A_61 = tpu.memref_slice %arg7[%scan3A_49, %dma_start3A_60] : memref<104x128xi32, #tpu.memory_space<vmem>> -> memref<1x128xi32, #tpu.memory_space<vmem>>
          %dma_start3A_62 = tpu.memref_squeeze %dma_start3A_61 : memref<1x128xi32, #tpu.memory_space<vmem>> -> memref<128xi32, #tpu.memory_space<vmem>>
          %dma_start3A_63 = arith.constant 0 : i32
          %dma_start3A_64 = arith.constant 0 : i32
          %dma_start3A_65 = tpu.memref_slice %arg9[%dma_start3A_63, %dma_start3A_64] : memref<10240x128xf32, #tpu.memory_space<vmem_shared>> -> memref<10240x128xf32, #tpu.memory_space<vmem_shared>>
          tpu.enqueue_indirect_dma source(%arg8 : memref<128x128xf32, #tpu.memory_space<vmem>>) target(%dma_start3A_65 : memref<10240x128xf32, #tpu.memory_space<vmem_shared>>) offsets(%dma_start3A_62 : memref<128xi32, #tpu.memory_space<vmem>>) semaphore(%run_scoped3A : memref<!tpu.dma_semaphore, #tpu.memory_space<semaphore_mem>>) {add = true}
          %dma_wait3A_66 = arith.constant 0 : i32
          %dma_wait3A_67 = tpu.memref_slice %arg7[%scan3A_49, %dma_wait3A_66] : memref<104x128xi32, #tpu.memory_space<vmem>> -> memref<1x128xi32, #tpu.memory_space<vmem>>
          %dma_wait3A_68 = tpu.memref_squeeze %dma_wait3A_67 : memref<1x128xi32, #tpu.memory_space<vmem>> -> memref<128xi32, #tpu.memory_space<vmem>>
          %dma_wait3A_69 = arith.constant 0 : i32
          %dma_wait3A_70 = arith.constant 0 : i32
          %dma_wait3A_71 = tpu.memref_slice %arg9[%dma_wait3A_69, %dma_wait3A_70] : memref<10240x128xf32, #tpu.memory_space<vmem_shared>> -> memref<10240x128xf32, #tpu.memory_space<vmem_shared>>
          tpu.wait_indirect_dma semaphore(%run_scoped3A : memref<!tpu.dma_semaphore, #tpu.memory_space<semaphore_mem>>) src(%arg8 : memref<128x128xf32, #tpu.memory_space<vmem>>) dst(%dma_wait3A_71 : memref<10240x128xf32, #tpu.memory_space<vmem_shared>>)
          tpu.yield
        }) : () -> ()
      }
      %scan3A_48 = arith.constant 56 : i32
    } else {
    }
    %barrier3A_34 = arith.constant 0 : index
    tpu.barrier barrier_id(%barrier3A_34)
    %mul3A_35 = arith.constant 640 : i32
    %mul3A_36 = arith.muli %arg1, %mul3A_35 : i32
    %mul3A_37 = arith.constant 640 : i32
    %mul3A_38 = arith.muli %arg1, %mul3A_37 : i32
    "tpu.region"() ({
      %run_scoped3A = tpu.sem_alloc : memref<!tpu.dma_semaphore, #tpu.memory_space<semaphore_mem>>
      %dma_start3A = arith.constant 0 : i32
      %dma_start3A_39 = tpu.memref_slice %arg5[%arg0, %mul3A_38, %dma_start3A] : memref<2x10240x128xf32, #tpu.memory_space<hbm>> -> memref<1x640x128xf32, #tpu.memory_space<hbm>>
      %dma_start3A_40 = tpu.memref_squeeze %dma_start3A_39 : memref<1x640x128xf32, #tpu.memory_space<hbm>> -> memref<640x128xf32, #tpu.memory_space<hbm>>
      %dma_start3A_41 = arith.constant 0 : i32
      %dma_start3A_42 = tpu.memref_slice %arg9[%mul3A_36, %dma_start3A_41] : memref<10240x128xf32, #tpu.memory_space<vmem_shared>> -> memref<640x128xf32, #tpu.memory_space<vmem_shared>>
      tpu.enqueue_dma source(%dma_start3A_42 : memref<640x128xf32, #tpu.memory_space<vmem_shared>>) target(%dma_start3A_40 : memref<640x128xf32, #tpu.memory_space<hbm>>) target_semaphore(%run_scoped3A : memref<!tpu.dma_semaphore, #tpu.memory_space<semaphore_mem>>)
      %dma_wait3A = arith.constant 0 : i32
      %dma_wait3A_43 = tpu.memref_slice %arg5[%arg0, %mul3A_38, %dma_wait3A] : memref<2x10240x128xf32, #tpu.memory_space<hbm>> -> memref<1x640x128xf32, #tpu.memory_space<hbm>>
      %dma_wait3A_44 = tpu.memref_squeeze %dma_wait3A_43 : memref<1x640x128xf32, #tpu.memory_space<hbm>> -> memref<640x128xf32, #tpu.memory_space<hbm>>
      %dma_wait3A_45 = arith.constant 0 : i32
      %dma_wait3A_46 = tpu.memref_slice %arg9[%mul3A_36, %dma_wait3A_45] : memref<10240x128xf32, #tpu.memory_space<vmem_shared>> -> memref<640x128xf32, #tpu.memory_space<vmem_shared>>
      tpu.wait_dma2 semaphore(%run_scoped3A : memref<!tpu.dma_semaphore, #tpu.memory_space<semaphore_mem>>) src(%dma_wait3A_46 : memref<640x128xf32, #tpu.memory_space<vmem_shared>>) dst(%dma_wait3A_44 : memref<640x128xf32, #tpu.memory_space<hbm>>)
      tpu.yield
    }) : () -> ()
    return
  }
}

#map = affine_map<(d0, d1) -> (0, 0)>
#map1 = affine_map<(d0, d1) -> (0, 0, 0)>
module attributes {stable_mosaic.version = 14 : i64} {
  func.func @_sc_degree_body(%arg0: i32, %arg1: i32, %arg2: memref<2560x128xi32, #tpu.memory_space<hbm>>, %arg3: memref<128x128xf32, #tpu.memory_space<hbm>>, %arg4: memref<128x128xf32, #tpu.memory_space<hbm>>, %arg5: memref<2x10240x128xf32, #tpu.memory_space<hbm>>, %arg6: memref<80x128xi32, #tpu.memory_space<vmem>>, %arg7: memref<128x128xf32, #tpu.memory_space<vmem>>, %arg8: memref<128x128xf32, #tpu.memory_space<vmem>>, %arg9: memref<10240x128xf32, #tpu.memory_space<vmem_shared>>) attributes {dimension_semantics = [#tpu.dimension_semantics<core_parallel>, #tpu.dimension_semantics<subcore_parallel>], iteration_bounds = array<i64: 2, 16>, scalar_prefetch = 0 : i64, scratch_operands = 4 : i64, tpu.core_type = #tpu.core_type<sc_vector_subcore>, window_params = [{transform_indices = #map}, {transform_indices = #map}, {transform_indices = #map}, {transform_indices = #map1}]} {
    %mul3A = arith.constant 2 : i32
    %mul3A_0 = arith.muli %arg1, %mul3A : i32
    %add3A = arith.addi %mul3A_0, %arg0 : i32
    "tpu.region"() ({
      %run_scoped3A = tpu.sem_alloc : memref<!tpu.dma_semaphore, #tpu.memory_space<semaphore_mem>>
      tpu.enqueue_dma source(%arg3 : memref<128x128xf32, #tpu.memory_space<hbm>>) target(%arg7 : memref<128x128xf32, #tpu.memory_space<vmem>>) target_semaphore(%run_scoped3A : memref<!tpu.dma_semaphore, #tpu.memory_space<semaphore_mem>>)
      tpu.wait_dma2 semaphore(%run_scoped3A : memref<!tpu.dma_semaphore, #tpu.memory_space<semaphore_mem>>) src(%arg3 : memref<128x128xf32, #tpu.memory_space<hbm>>) dst(%arg7 : memref<128x128xf32, #tpu.memory_space<vmem>>)
      tpu.yield
    }) : () -> ()
    "tpu.region"() ({
      %run_scoped3A = tpu.sem_alloc : memref<!tpu.dma_semaphore, #tpu.memory_space<semaphore_mem>>
      tpu.enqueue_dma source(%arg4 : memref<128x128xf32, #tpu.memory_space<hbm>>) target(%arg8 : memref<128x128xf32, #tpu.memory_space<vmem>>) target_semaphore(%run_scoped3A : memref<!tpu.dma_semaphore, #tpu.memory_space<semaphore_mem>>)
      tpu.wait_dma2 semaphore(%run_scoped3A : memref<!tpu.dma_semaphore, #tpu.memory_space<semaphore_mem>>) src(%arg4 : memref<128x128xf32, #tpu.memory_space<hbm>>) dst(%arg8 : memref<128x128xf32, #tpu.memory_space<vmem>>)
      tpu.yield
    }) : () -> ()
    %mul3A_1 = arith.constant 640 : i32
    %mul3A_2 = arith.muli %arg1, %mul3A_1 : i32
    %add3A_3 = arith.constant 0 : i32
    %add3A_4 = arith.addi %mul3A_2, %add3A_3 : i32
    "tpu.region"() ({
      %run_scoped3A = tpu.sem_alloc : memref<!tpu.dma_semaphore, #tpu.memory_space<semaphore_mem>>
      %dma_start3A = arith.constant 0 : i32
      %dma_start3A_33 = tpu.memref_slice %arg9[%add3A_4, %dma_start3A] : memref<10240x128xf32, #tpu.memory_space<vmem_shared>> -> memref<128x128xf32, #tpu.memory_space<vmem_shared>>
      %dma_start3A_34 = arith.constant 0 : i32
      %dma_start3A_35 = tpu.memref_slice %arg9[%add3A_4, %dma_start3A_34] : memref<10240x128xf32, #tpu.memory_space<vmem_shared>> -> memref<128x128xf32, #tpu.memory_space<vmem_shared>>
      tpu.enqueue_dma source(%arg8 : memref<128x128xf32, #tpu.memory_space<vmem>>) target(%dma_start3A_35 : memref<128x128xf32, #tpu.memory_space<vmem_shared>>) target_semaphore(%run_scoped3A : memref<!tpu.dma_semaphore, #tpu.memory_space<semaphore_mem>>)
      %dma_wait3A = arith.constant 0 : i32
      %dma_wait3A_36 = tpu.memref_slice %arg9[%add3A_4, %dma_wait3A] : memref<10240x128xf32, #tpu.memory_space<vmem_shared>> -> memref<128x128xf32, #tpu.memory_space<vmem_shared>>
      %dma_wait3A_37 = arith.constant 0 : i32
      %dma_wait3A_38 = tpu.memref_slice %arg9[%add3A_4, %dma_wait3A_37] : memref<10240x128xf32, #tpu.memory_space<vmem_shared>> -> memref<128x128xf32, #tpu.memory_space<vmem_shared>>
      tpu.wait_dma2 semaphore(%run_scoped3A : memref<!tpu.dma_semaphore, #tpu.memory_space<semaphore_mem>>) src(%arg8 : memref<128x128xf32, #tpu.memory_space<vmem>>) dst(%dma_wait3A_38 : memref<128x128xf32, #tpu.memory_space<vmem_shared>>)
      tpu.yield
    }) : () -> ()
    %mul3A_5 = arith.constant 640 : i32
    %mul3A_6 = arith.muli %arg1, %mul3A_5 : i32
    %add3A_7 = arith.constant 128 : i32
    %add3A_8 = arith.addi %mul3A_6, %add3A_7 : i32
    "tpu.region"() ({
      %run_scoped3A = tpu.sem_alloc : memref<!tpu.dma_semaphore, #tpu.memory_space<semaphore_mem>>
      %dma_start3A = arith.constant 0 : i32
      %dma_start3A_33 = tpu.memref_slice %arg9[%add3A_8, %dma_start3A] : memref<10240x128xf32, #tpu.memory_space<vmem_shared>> -> memref<128x128xf32, #tpu.memory_space<vmem_shared>>
      %dma_start3A_34 = arith.constant 0 : i32
      %dma_start3A_35 = tpu.memref_slice %arg9[%add3A_8, %dma_start3A_34] : memref<10240x128xf32, #tpu.memory_space<vmem_shared>> -> memref<128x128xf32, #tpu.memory_space<vmem_shared>>
      tpu.enqueue_dma source(%arg8 : memref<128x128xf32, #tpu.memory_space<vmem>>) target(%dma_start3A_35 : memref<128x128xf32, #tpu.memory_space<vmem_shared>>) target_semaphore(%run_scoped3A : memref<!tpu.dma_semaphore, #tpu.memory_space<semaphore_mem>>)
      %dma_wait3A = arith.constant 0 : i32
      %dma_wait3A_36 = tpu.memref_slice %arg9[%add3A_8, %dma_wait3A] : memref<10240x128xf32, #tpu.memory_space<vmem_shared>> -> memref<128x128xf32, #tpu.memory_space<vmem_shared>>
      %dma_wait3A_37 = arith.constant 0 : i32
      %dma_wait3A_38 = tpu.memref_slice %arg9[%add3A_8, %dma_wait3A_37] : memref<10240x128xf32, #tpu.memory_space<vmem_shared>> -> memref<128x128xf32, #tpu.memory_space<vmem_shared>>
      tpu.wait_dma2 semaphore(%run_scoped3A : memref<!tpu.dma_semaphore, #tpu.memory_space<semaphore_mem>>) src(%arg8 : memref<128x128xf32, #tpu.memory_space<vmem>>) dst(%dma_wait3A_38 : memref<128x128xf32, #tpu.memory_space<vmem_shared>>)
      tpu.yield
    }) : () -> ()
    %mul3A_9 = arith.constant 640 : i32
    %mul3A_10 = arith.muli %arg1, %mul3A_9 : i32
    %add3A_11 = arith.constant 256 : i32
    %add3A_12 = arith.addi %mul3A_10, %add3A_11 : i32
    "tpu.region"() ({
      %run_scoped3A = tpu.sem_alloc : memref<!tpu.dma_semaphore, #tpu.memory_space<semaphore_mem>>
      %dma_start3A = arith.constant 0 : i32
      %dma_start3A_33 = tpu.memref_slice %arg9[%add3A_12, %dma_start3A] : memref<10240x128xf32, #tpu.memory_space<vmem_shared>> -> memref<128x128xf32, #tpu.memory_space<vmem_shared>>
      %dma_start3A_34 = arith.constant 0 : i32
      %dma_start3A_35 = tpu.memref_slice %arg9[%add3A_12, %dma_start3A_34] : memref<10240x128xf32, #tpu.memory_space<vmem_shared>> -> memref<128x128xf32, #tpu.memory_space<vmem_shared>>
      tpu.enqueue_dma source(%arg8 : memref<128x128xf32, #tpu.memory_space<vmem>>) target(%dma_start3A_35 : memref<128x128xf32, #tpu.memory_space<vmem_shared>>) target_semaphore(%run_scoped3A : memref<!tpu.dma_semaphore, #tpu.memory_space<semaphore_mem>>)
      %dma_wait3A = arith.constant 0 : i32
      %dma_wait3A_36 = tpu.memref_slice %arg9[%add3A_12, %dma_wait3A] : memref<10240x128xf32, #tpu.memory_space<vmem_shared>> -> memref<128x128xf32, #tpu.memory_space<vmem_shared>>
      %dma_wait3A_37 = arith.constant 0 : i32
      %dma_wait3A_38 = tpu.memref_slice %arg9[%add3A_12, %dma_wait3A_37] : memref<10240x128xf32, #tpu.memory_space<vmem_shared>> -> memref<128x128xf32, #tpu.memory_space<vmem_shared>>
      tpu.wait_dma2 semaphore(%run_scoped3A : memref<!tpu.dma_semaphore, #tpu.memory_space<semaphore_mem>>) src(%arg8 : memref<128x128xf32, #tpu.memory_space<vmem>>) dst(%dma_wait3A_38 : memref<128x128xf32, #tpu.memory_space<vmem_shared>>)
      tpu.yield
    }) : () -> ()
    %mul3A_13 = arith.constant 640 : i32
    %mul3A_14 = arith.muli %arg1, %mul3A_13 : i32
    %add3A_15 = arith.constant 384 : i32
    %add3A_16 = arith.addi %mul3A_14, %add3A_15 : i32
    "tpu.region"() ({
      %run_scoped3A = tpu.sem_alloc : memref<!tpu.dma_semaphore, #tpu.memory_space<semaphore_mem>>
      %dma_start3A = arith.constant 0 : i32
      %dma_start3A_33 = tpu.memref_slice %arg9[%add3A_16, %dma_start3A] : memref<10240x128xf32, #tpu.memory_space<vmem_shared>> -> memref<128x128xf32, #tpu.memory_space<vmem_shared>>
      %dma_start3A_34 = arith.constant 0 : i32
      %dma_start3A_35 = tpu.memref_slice %arg9[%add3A_16, %dma_start3A_34] : memref<10240x128xf32, #tpu.memory_space<vmem_shared>> -> memref<128x128xf32, #tpu.memory_space<vmem_shared>>
      tpu.enqueue_dma source(%arg8 : memref<128x128xf32, #tpu.memory_space<vmem>>) target(%dma_start3A_35 : memref<128x128xf32, #tpu.memory_space<vmem_shared>>) target_semaphore(%run_scoped3A : memref<!tpu.dma_semaphore, #tpu.memory_space<semaphore_mem>>)
      %dma_wait3A = arith.constant 0 : i32
      %dma_wait3A_36 = tpu.memref_slice %arg9[%add3A_16, %dma_wait3A] : memref<10240x128xf32, #tpu.memory_space<vmem_shared>> -> memref<128x128xf32, #tpu.memory_space<vmem_shared>>
      %dma_wait3A_37 = arith.constant 0 : i32
      %dma_wait3A_38 = tpu.memref_slice %arg9[%add3A_16, %dma_wait3A_37] : memref<10240x128xf32, #tpu.memory_space<vmem_shared>> -> memref<128x128xf32, #tpu.memory_space<vmem_shared>>
      tpu.wait_dma2 semaphore(%run_scoped3A : memref<!tpu.dma_semaphore, #tpu.memory_space<semaphore_mem>>) src(%arg8 : memref<128x128xf32, #tpu.memory_space<vmem>>) dst(%dma_wait3A_38 : memref<128x128xf32, #tpu.memory_space<vmem_shared>>)
      tpu.yield
    }) : () -> ()
    %mul3A_17 = arith.constant 640 : i32
    %mul3A_18 = arith.muli %arg1, %mul3A_17 : i32
    %add3A_19 = arith.constant 512 : i32
    %add3A_20 = arith.addi %mul3A_18, %add3A_19 : i32
    "tpu.region"() ({
      %run_scoped3A = tpu.sem_alloc : memref<!tpu.dma_semaphore, #tpu.memory_space<semaphore_mem>>
      %dma_start3A = arith.constant 0 : i32
      %dma_start3A_33 = tpu.memref_slice %arg9[%add3A_20, %dma_start3A] : memref<10240x128xf32, #tpu.memory_space<vmem_shared>> -> memref<128x128xf32, #tpu.memory_space<vmem_shared>>
      %dma_start3A_34 = arith.constant 0 : i32
      %dma_start3A_35 = tpu.memref_slice %arg9[%add3A_20, %dma_start3A_34] : memref<10240x128xf32, #tpu.memory_space<vmem_shared>> -> memref<128x128xf32, #tpu.memory_space<vmem_shared>>
      tpu.enqueue_dma source(%arg8 : memref<128x128xf32, #tpu.memory_space<vmem>>) target(%dma_start3A_35 : memref<128x128xf32, #tpu.memory_space<vmem_shared>>) target_semaphore(%run_scoped3A : memref<!tpu.dma_semaphore, #tpu.memory_space<semaphore_mem>>)
      %dma_wait3A = arith.constant 0 : i32
      %dma_wait3A_36 = tpu.memref_slice %arg9[%add3A_20, %dma_wait3A] : memref<10240x128xf32, #tpu.memory_space<vmem_shared>> -> memref<128x128xf32, #tpu.memory_space<vmem_shared>>
      %dma_wait3A_37 = arith.constant 0 : i32
      %dma_wait3A_38 = tpu.memref_slice %arg9[%add3A_20, %dma_wait3A_37] : memref<10240x128xf32, #tpu.memory_space<vmem_shared>> -> memref<128x128xf32, #tpu.memory_space<vmem_shared>>
      tpu.wait_dma2 semaphore(%run_scoped3A : memref<!tpu.dma_semaphore, #tpu.memory_space<semaphore_mem>>) src(%arg8 : memref<128x128xf32, #tpu.memory_space<vmem>>) dst(%dma_wait3A_38 : memref<128x128xf32, #tpu.memory_space<vmem_shared>>)
      tpu.yield
    }) : () -> ()
    %barrier3A = arith.constant 0 : index
    tpu.barrier barrier_id(%barrier3A)
    %mul3A_21 = arith.constant 80 : i32
    %mul3A_22 = arith.muli %add3A, %mul3A_21 : i32
    "tpu.region"() ({
      %run_scoped3A = tpu.sem_alloc : memref<!tpu.dma_semaphore, #tpu.memory_space<semaphore_mem>>
      %dma_start3A = arith.constant 0 : i32
      %dma_start3A_33 = tpu.memref_slice %arg2[%mul3A_22, %dma_start3A] : memref<2560x128xi32, #tpu.memory_space<hbm>> -> memref<80x128xi32, #tpu.memory_space<hbm>>
      %dma_start3A_34 = arith.constant 0 : i32
      %dma_start3A_35 = tpu.memref_slice %arg2[%mul3A_22, %dma_start3A_34] : memref<2560x128xi32, #tpu.memory_space<hbm>> -> memref<80x128xi32, #tpu.memory_space<hbm>>
      tpu.enqueue_dma source(%dma_start3A_35 : memref<80x128xi32, #tpu.memory_space<hbm>>) target(%arg6 : memref<80x128xi32, #tpu.memory_space<vmem>>) target_semaphore(%run_scoped3A : memref<!tpu.dma_semaphore, #tpu.memory_space<semaphore_mem>>)
      %dma_wait3A = arith.constant 0 : i32
      %dma_wait3A_36 = tpu.memref_slice %arg2[%mul3A_22, %dma_wait3A] : memref<2560x128xi32, #tpu.memory_space<hbm>> -> memref<80x128xi32, #tpu.memory_space<hbm>>
      %dma_wait3A_37 = arith.constant 0 : i32
      %dma_wait3A_38 = tpu.memref_slice %arg2[%mul3A_22, %dma_wait3A_37] : memref<2560x128xi32, #tpu.memory_space<hbm>> -> memref<80x128xi32, #tpu.memory_space<hbm>>
      tpu.wait_dma2 semaphore(%run_scoped3A : memref<!tpu.dma_semaphore, #tpu.memory_space<semaphore_mem>>) src(%dma_wait3A_38 : memref<80x128xi32, #tpu.memory_space<hbm>>) dst(%arg6 : memref<80x128xi32, #tpu.memory_space<vmem>>)
      tpu.yield
    }) : () -> ()
    %scan3A = arith.constant 0 : i32
    %scan3A_23 = arith.constant 0 : i32
    %scan3A_24 = arith.constant 80 : i32
    %scan3A_25 = arith.addi %scan3A_23, %scan3A_24 : i32
    %scan3A_26 = arith.constant 1 : i32
    scf.for %scan3A_33 = %scan3A_23 to %scan3A_25 step %scan3A_26  : i32 {
      "tpu.region"() ({
        %run_scoped3A = tpu.sem_alloc : memref<!tpu.dma_semaphore, #tpu.memory_space<semaphore_mem>>
        %dma_start3A = arith.constant 0 : i32
        %dma_start3A_34 = tpu.memref_slice %arg6[%scan3A_33, %dma_start3A] : memref<80x128xi32, #tpu.memory_space<vmem>> -> memref<1x128xi32, #tpu.memory_space<vmem>>
        %dma_start3A_35 = tpu.memref_squeeze %dma_start3A_34 : memref<1x128xi32, #tpu.memory_space<vmem>> -> memref<128xi32, #tpu.memory_space<vmem>>
        %dma_start3A_36 = arith.constant 0 : i32
        %dma_start3A_37 = arith.constant 0 : i32
        %dma_start3A_38 = tpu.memref_slice %arg9[%dma_start3A_36, %dma_start3A_37] : memref<10240x128xf32, #tpu.memory_space<vmem_shared>> -> memref<10240x128xf32, #tpu.memory_space<vmem_shared>>
        tpu.enqueue_indirect_dma source(%arg7 : memref<128x128xf32, #tpu.memory_space<vmem>>) target(%dma_start3A_38 : memref<10240x128xf32, #tpu.memory_space<vmem_shared>>) offsets(%dma_start3A_35 : memref<128xi32, #tpu.memory_space<vmem>>) semaphore(%run_scoped3A : memref<!tpu.dma_semaphore, #tpu.memory_space<semaphore_mem>>) {add = true}
        %dma_wait3A = arith.constant 0 : i32
        %dma_wait3A_39 = tpu.memref_slice %arg6[%scan3A_33, %dma_wait3A] : memref<80x128xi32, #tpu.memory_space<vmem>> -> memref<1x128xi32, #tpu.memory_space<vmem>>
        %dma_wait3A_40 = tpu.memref_squeeze %dma_wait3A_39 : memref<1x128xi32, #tpu.memory_space<vmem>> -> memref<128xi32, #tpu.memory_space<vmem>>
        %dma_wait3A_41 = arith.constant 0 : i32
        %dma_wait3A_42 = arith.constant 0 : i32
        %dma_wait3A_43 = tpu.memref_slice %arg9[%dma_wait3A_41, %dma_wait3A_42] : memref<10240x128xf32, #tpu.memory_space<vmem_shared>> -> memref<10240x128xf32, #tpu.memory_space<vmem_shared>>
        tpu.wait_indirect_dma semaphore(%run_scoped3A : memref<!tpu.dma_semaphore, #tpu.memory_space<semaphore_mem>>) src(%arg7 : memref<128x128xf32, #tpu.memory_space<vmem>>) dst(%dma_wait3A_43 : memref<10240x128xf32, #tpu.memory_space<vmem_shared>>)
        tpu.yield
      }) : () -> ()
    }
    %scan3A_27 = arith.constant 80 : i32
    %barrier3A_28 = arith.constant 0 : index
    tpu.barrier barrier_id(%barrier3A_28)
    %mul3A_29 = arith.constant 640 : i32
    %mul3A_30 = arith.muli %arg1, %mul3A_29 : i32
    %mul3A_31 = arith.constant 640 : i32
    %mul3A_32 = arith.muli %arg1, %mul3A_31 : i32
    "tpu.region"() ({
      %run_scoped3A = tpu.sem_alloc : memref<!tpu.dma_semaphore, #tpu.memory_space<semaphore_mem>>
      %dma_start3A = arith.constant 0 : i32
      %dma_start3A_33 = tpu.memref_slice %arg5[%arg0, %mul3A_32, %dma_start3A] : memref<2x10240x128xf32, #tpu.memory_space<hbm>> -> memref<1x640x128xf32, #tpu.memory_space<hbm>>
      %dma_start3A_34 = tpu.memref_squeeze %dma_start3A_33 : memref<1x640x128xf32, #tpu.memory_space<hbm>> -> memref<640x128xf32, #tpu.memory_space<hbm>>
      %dma_start3A_35 = arith.constant 0 : i32
      %dma_start3A_36 = tpu.memref_slice %arg9[%mul3A_30, %dma_start3A_35] : memref<10240x128xf32, #tpu.memory_space<vmem_shared>> -> memref<640x128xf32, #tpu.memory_space<vmem_shared>>
      tpu.enqueue_dma source(%dma_start3A_36 : memref<640x128xf32, #tpu.memory_space<vmem_shared>>) target(%dma_start3A_34 : memref<640x128xf32, #tpu.memory_space<hbm>>) target_semaphore(%run_scoped3A : memref<!tpu.dma_semaphore, #tpu.memory_space<semaphore_mem>>)
      %dma_wait3A = arith.constant 0 : i32
      %dma_wait3A_37 = tpu.memref_slice %arg5[%arg0, %mul3A_32, %dma_wait3A] : memref<2x10240x128xf32, #tpu.memory_space<hbm>> -> memref<1x640x128xf32, #tpu.memory_space<hbm>>
      %dma_wait3A_38 = tpu.memref_squeeze %dma_wait3A_37 : memref<1x640x128xf32, #tpu.memory_space<hbm>> -> memref<640x128xf32, #tpu.memory_space<hbm>>
      %dma_wait3A_39 = arith.constant 0 : i32
      %dma_wait3A_40 = tpu.memref_slice %arg9[%mul3A_30, %dma_wait3A_39] : memref<10240x128xf32, #tpu.memory_space<vmem_shared>> -> memref<640x128xf32, #tpu.memory_space<vmem_shared>>
      tpu.wait_dma2 semaphore(%run_scoped3A : memref<!tpu.dma_semaphore, #tpu.memory_space<semaphore_mem>>) src(%dma_wait3A_40 : memref<640x128xf32, #tpu.memory_space<vmem_shared>>) dst(%dma_wait3A_38 : memref<640x128xf32, #tpu.memory_space<hbm>>)
      tpu.yield
    }) : () -> ()
    return
  }
}

module attributes {stable_mosaic.version = 14 : i64} {
  func.func @_prescale_body(%arg0: memref<10240x128xf32, #tpu.memory_space<vmem>>, %arg1: memref<10240x128xf32, #tpu.memory_space<vmem>>, %arg2: memref<10240x128xf32, #tpu.memory_space<vmem>>, %arg3: memref<10240x128xf32, #tpu.memory_space<vmem>>, %arg4: memref<10240x1xf32, #tpu.memory_space<vmem>>) attributes {dimension_semantics = [], scalar_prefetch = 0 : i64, scratch_operands = 0 : i64, tpu.core_type = #tpu.core_type<tc>} {
    %get3A = arith.constant 0 : index
    %get3A_0 = arith.constant 0 : index
    %get3A_1 = vector.load %arg1[%get3A, %get3A_0] : memref<10240x128xf32, #tpu.memory_space<vmem>>, vector<10240x128xf32>
    %slice3A = vector.extract_strided_slice %get3A_1 {offsets = [0, 0], sizes = [10240, 1], strides = [1, 1]} : vector<10240x128xf32> to vector<10240x1xf32>
    %get3A_2 = arith.constant 0 : index
    %get3A_3 = arith.constant 0 : index
    %get3A_4 = vector.load %arg2[%get3A_2, %get3A_3] : memref<10240x128xf32, #tpu.memory_space<vmem>>, vector<10240x128xf32>
    %slice3A_5 = vector.extract_strided_slice %get3A_4 {offsets = [0, 0], sizes = [10240, 1], strides = [1, 1]} : vector<10240x128xf32> to vector<10240x1xf32>
    %add3A = arith.addf %slice3A, %slice3A_5 : vector<10240x1xf32>
    %add3A_6 = arith.constant 1.000000e+00 : f32
    %add3A_7 = vector.broadcast %add3A_6 : f32 to vector<10240x1xf32>
    %add3A_8 = arith.addf %add3A, %add3A_7 : vector<10240x1xf32>
    %rsqrt3A = math.rsqrt %add3A_8 : vector<10240x1xf32>
    %swap3A = arith.constant 0 : index
    %swap3A_9 = arith.constant 0 : index
    %swap3A_10 = vector.load %arg4[%swap3A, %swap3A_9] : memref<10240x1xf32, #tpu.memory_space<vmem>>, vector<10240x1xf32>
    tpu.vector_store %arg4[%swap3A, %swap3A_9], %rsqrt3A {strides = array<i32>} : memref<10240x1xf32, #tpu.memory_space<vmem>>, vector<10240x1xf32>,
    %get3A_11 = arith.constant 0 : index
    %get3A_12 = arith.constant 0 : index
    %get3A_13 = vector.load %arg0[%get3A_11, %get3A_12] : memref<10240x128xf32, #tpu.memory_space<vmem>>, vector<10240x128xf32>
    %mul3A = vector.broadcast %rsqrt3A : vector<10240x1xf32> to vector<10240x128xf32>
    %mul3A_14 = arith.mulf %get3A_13, %mul3A : vector<10240x128xf32>
    %swap3A_15 = arith.constant 0 : index
    %swap3A_16 = arith.constant 0 : index
    %swap3A_17 = vector.load %arg3[%swap3A_15, %swap3A_16] : memref<10240x128xf32, #tpu.memory_space<vmem>>, vector<10240x128xf32>
    tpu.vector_store %arg3[%swap3A_15, %swap3A_16], %mul3A_14 {strides = array<i32>} : memref<10240x128xf32, #tpu.memory_space<vmem>>, vector<10240x128xf32>,
    return
  }
}

module attributes {stable_mosaic.version = 14 : i64} {
  func.func @_final_body(%arg0: i32, %arg1: memref<1024x128xf32, #tpu.memory_space<vmem>>, %arg2: memref<1024x128xf32, #tpu.memory_space<vmem>>, %arg3: memref<1024x128xf32, #tpu.memory_space<vmem>>, %arg4: memref<1024x1xf32, #tpu.memory_space<vmem>>, %arg5: memref<128x128xf32, #tpu.memory_space<vmem>>, %arg6: memref<1x128xf32, #tpu.memory_space<vmem>>, %arg7: memref<128x128xf32, #tpu.memory_space<vmem>>, %arg8: memref<1x128xf32, #tpu.memory_space<vmem>>, %arg9: memref<1024x128xf32, #tpu.memory_space<vmem>>, %arg10: memref<1024x128xf32, #tpu.memory_space<vmem>>, %arg11: memref<1024x128xf32, #tpu.memory_space<vmem>>) attributes {dimension_semantics = [#tpu.dimension_semantics<arbitrary>], iteration_bounds = array<i64: 10>, scalar_prefetch = 0 : i64, scratch_operands = 0 : i64, tpu.core_type = #tpu.core_type<tc>, window_params = [{transform_indices = @transform_0, window_bounds = array<i64: 1024, 128>}, {transform_indices = @transform_1, window_bounds = array<i64: 1024, 128>}, {transform_indices = @transform_2, window_bounds = array<i64: 1024, 128>}, {transform_indices = @transform_3, window_bounds = array<i64: 1024, 1>}, {pipeline_mode = #tpu.pipeline_mode<synchronous>, transform_indices = @transform_4, window_bounds = array<i64: 128, 128>}, {pipeline_mode = #tpu.pipeline_mode<synchronous>, transform_indices = @transform_5, window_bounds = array<i64: 1, 128>}, {pipeline_mode = #tpu.pipeline_mode<synchronous>, transform_indices = @transform_6, window_bounds = array<i64: 128, 128>}, {pipeline_mode = #tpu.pipeline_mode<synchronous>, transform_indices = @transform_7, window_bounds = array<i64: 1, 128>}, {transform_indices = @transform_8, window_bounds = array<i64: 1024, 128>}, {transform_indices = @transform_9, window_bounds = array<i64: 1024, 128>}, {transform_indices = @transform_10, window_bounds = array<i64: 1024, 128>}]} {
    %get3A = arith.constant 0 : index
    %get3A_0 = arith.constant 0 : index
    %get3A_1 = vector.load %arg4[%get3A, %get3A_0] : memref<1024x1xf32, #tpu.memory_space<vmem>>, vector<1024x1xf32>
    %get3A_2 = arith.constant 0 : index
    %get3A_3 = arith.constant 0 : index
    %get3A_4 = vector.load %arg1[%get3A_2, %get3A_3] : memref<1024x128xf32, #tpu.memory_space<vmem>>, vector<1024x128xf32>
    %get3A_5 = arith.constant 0 : index
    %get3A_6 = arith.constant 0 : index
    %get3A_7 = vector.load %arg2[%get3A_5, %get3A_6] : memref<1024x128xf32, #tpu.memory_space<vmem>>, vector<1024x128xf32>
    %add3A = arith.addf %get3A_4, %get3A_7 : vector<1024x128xf32>
    %mul3A = vector.broadcast %get3A_1 : vector<1024x1xf32> to vector<1024x128xf32>
    %mul3A_8 = arith.mulf %mul3A, %add3A : vector<1024x128xf32>
    %mul3A_9 = arith.mulf %get3A_1, %get3A_1 : vector<1024x1xf32>
    %get3A_10 = arith.constant 0 : index
    %get3A_11 = arith.constant 0 : index
    %get3A_12 = vector.load %arg3[%get3A_10, %get3A_11] : memref<1024x128xf32, #tpu.memory_space<vmem>>, vector<1024x128xf32>
    %mul3A_13 = vector.broadcast %mul3A_9 : vector<1024x1xf32> to vector<1024x128xf32>
    %mul3A_14 = arith.mulf %mul3A_13, %get3A_12 : vector<1024x128xf32>
    %add3A_15 = arith.addf %mul3A_8, %mul3A_14 : vector<1024x128xf32>
    %get3A_16 = arith.constant 0 : index
    %get3A_17 = arith.constant 0 : index
    %get3A_18 = vector.load %arg5[%get3A_16, %get3A_17] : memref<128x128xf32, #tpu.memory_space<vmem>>, vector<128x128xf32>
    %dot_general3A = arith.constant dense<0.000000e+00> : vector<1024x128xf32>
    %dot_general3A_19 = tpu.matmul %add3A_15, %get3A_18, %dot_general3A {dimension_numbers = #tpu.dot_dimension_numbers<[1], [0], [0], [1], [0, 0, 1, 1], [], []>, transpose_lhs_hint = false} : vector<1024x128xf32>, vector<128x128xf32>, vector<1024x128xf32> -> vector<1024x128xf32>
    %get3A_20 = arith.constant 0 : index
    %get3A_21 = arith.constant 0 : index
    %get3A_22 = vector.load %arg6[%get3A_20, %get3A_21] : memref<1x128xf32, #tpu.memory_space<vmem>>, vector<1x128xf32>
    %add3A_23 = vector.broadcast %get3A_22 : vector<1x128xf32> to vector<1024x128xf32>
    %add3A_24 = arith.addf %dot_general3A_19, %add3A_23 : vector<1024x128xf32>
    %max3A = arith.constant 0.000000e+00 : f32
    %max3A_25 = vector.broadcast %max3A : f32 to vector<1024x128xf32>
    %max3A_26 = arith.maximumf %add3A_24, %max3A_25 : vector<1024x128xf32>
    %get3A_27 = arith.constant 0 : index
    %get3A_28 = arith.constant 0 : index
    %get3A_29 = vector.load %arg7[%get3A_27, %get3A_28] : memref<128x128xf32, #tpu.memory_space<vmem>>, vector<128x128xf32>
    %dot_general3A_30 = arith.constant dense<0.000000e+00> : vector<1024x128xf32>
    %dot_general3A_31 = tpu.matmul %add3A_15, %get3A_29, %dot_general3A_30 {dimension_numbers = #tpu.dot_dimension_numbers<[1], [0], [0], [1], [0, 0, 1, 1], [], []>, transpose_lhs_hint = false} : vector<1024x128xf32>, vector<128x128xf32>, vector<1024x128xf32> -> vector<1024x128xf32>
    %get3A_32 = arith.constant 0 : index
    %get3A_33 = arith.constant 0 : index
    %get3A_34 = vector.load %arg8[%get3A_32, %get3A_33] : memref<1x128xf32, #tpu.memory_space<vmem>>, vector<1x128xf32>
    %add3A_35 = vector.broadcast %get3A_34 : vector<1x128xf32> to vector<1024x128xf32>
    %add3A_36 = arith.addf %dot_general3A_31, %add3A_35 : vector<1024x128xf32>
    %max3A_37 = arith.constant 0.000000e+00 : f32
    %max3A_38 = vector.broadcast %max3A_37 : f32 to vector<1024x128xf32>
    %max3A_39 = arith.maximumf %add3A_36, %max3A_38 : vector<1024x128xf32>
    %swap3A = arith.constant 0 : index
    %swap3A_40 = arith.constant 0 : index
    %swap3A_41 = vector.load %arg10[%swap3A, %swap3A_40] : memref<1024x128xf32, #tpu.memory_space<vmem>>, vector<1024x128xf32>
    tpu.vector_store %arg10[%swap3A, %swap3A_40], %max3A_26 {strides = array<i32>} : memref<1024x128xf32, #tpu.memory_space<vmem>>, vector<1024x128xf32>,
    %swap3A_42 = arith.constant 0 : index
    %swap3A_43 = arith.constant 0 : index
    %swap3A_44 = vector.load %arg11[%swap3A_42, %swap3A_43] : memref<1024x128xf32, #tpu.memory_space<vmem>>, vector<1024x128xf32>
    tpu.vector_store %arg11[%swap3A_42, %swap3A_43], %max3A_39 {strides = array<i32>} : memref<1024x128xf32, #tpu.memory_space<vmem>>, vector<1024x128xf32>,
    %add3A_45 = arith.addf %max3A_26, %max3A_39 : vector<1024x128xf32>
    %swap3A_46 = arith.constant 0 : index
    %swap3A_47 = arith.constant 0 : index
    %swap3A_48 = vector.load %arg9[%swap3A_46, %swap3A_47] : memref<1024x128xf32, #tpu.memory_space<vmem>>, vector<1024x128xf32>
    tpu.vector_store %arg9[%swap3A_46, %swap3A_47], %add3A_45 {strides = array<i32>} : memref<1024x128xf32, #tpu.memory_space<vmem>>, vector<1024x128xf32>,
    return
  }
  func.func @transform_0(%arg0: i32) -> (i32, i32) {
    %c0_i32 = arith.constant 0 : i32
    %c0_i32_0 = arith.constant 0 : i32
    return %arg0, %c0_i32 : i32, i32
  }
  func.func @transform_1(%arg0: i32) -> (i32, i32) {
    %c0_i32 = arith.constant 0 : i32
    %c0_i32_0 = arith.constant 0 : i32
    return %arg0, %c0_i32 : i32, i32
  }
  func.func @transform_2(%arg0: i32) -> (i32, i32) {
    %c0_i32 = arith.constant 0 : i32
    %c0_i32_0 = arith.constant 0 : i32
    return %arg0, %c0_i32 : i32, i32
  }
  func.func @transform_3(%arg0: i32) -> (i32, i32) {
    %c0_i32 = arith.constant 0 : i32
    %c0_i32_0 = arith.constant 0 : i32
    return %arg0, %c0_i32 : i32, i32
  }
  func.func @transform_4(%arg0: i32) -> (i32, i32) {
    %c0_i32 = arith.constant 0 : i32
    %c0_i32_0 = arith.constant 0 : i32
    %c0_i32_1 = arith.constant 0 : i32
    return %c0_i32, %c0_i32_0 : i32, i32
  }
  func.func @transform_5(%arg0: i32) -> (i32, i32) {
    %c0_i32 = arith.constant 0 : i32
    %c0_i32_0 = arith.constant 0 : i32
    %c0_i32_1 = arith.constant 0 : i32
    return %c0_i32, %c0_i32_0 : i32, i32
  }
  func.func @transform_6(%arg0: i32) -> (i32, i32) {
    %c0_i32 = arith.constant 0 : i32
    %c0_i32_0 = arith.constant 0 : i32
    %c0_i32_1 = arith.constant 0 : i32
    return %c0_i32, %c0_i32_0 : i32, i32
  }
  func.func @transform_7(%arg0: i32) -> (i32, i32) {
    %c0_i32 = arith.constant 0 : i32
    %c0_i32_0 = arith.constant 0 : i32
    %c0_i32_1 = arith.constant 0 : i32
    return %c0_i32, %c0_i32_0 : i32, i32
  }
  func.func @transform_8(%arg0: i32) -> (i32, i32) {
    %c0_i32 = arith.constant 0 : i32
    %c0_i32_0 = arith.constant 0 : i32
    return %arg0, %c0_i32 : i32, i32
  }
  func.func @transform_9(%arg0: i32) -> (i32, i32) {
    %c0_i32 = arith.constant 0 : i32
    %c0_i32_0 = arith.constant 0 : i32
    return %arg0, %c0_i32 : i32, i32
  }
  func.func @transform_10(%arg0: i32) -> (i32, i32) {
    %c0_i32 = arith.constant 0 : i32
    %c0_i32_0 = arith.constant 0 : i32
    return %arg0, %c0_i32 : i32, i32
  }
}

</mosaic_0001>

<sc_bundles>
// kernel: kernel.6.cloned.1.call-start
scs
__scs_entry_jumppad:
0x0: {  	(pc) =	sbr.rel $0x88, $3  }
0x1: {  	(tag) =	ssettag $0x0;
	lr =	simm.s32 $0x1  }
0x2: {  	[smem:$0x3F9B] =	sst lr;
	_ =	strace $0xD0000000  }
0x3: {  	_ = 	snop  }
0x4: {  	_ = 	snop  }
0x5: {  	_ = 	snop  }
0x6: {  	_ = 	snop  }
0x7: {  	_ = 	snop  }
__scs_overlays_trampoline_lowered:
0x8: {  	[smem:$0x3FAA] =	sst s0  }
0x9: {  	[smem:$0x3FAB] =	sst s1  }
0xa: {  	[smem:$0x3FAC] =	sst s2  }
0xb: {  	[smem:$0x3FAD] =	sst s3  }
0xc: {  	[smem:$0x3FAE] =	sst s4  }
0xd: {  	[smem:$0x3FAF] =	sst s5  }
0xe: {  	[smem:$0x3FB0] =	sst s6  }
0xf: {  	[smem:$0x3FB1] =	sst s7  }
0x10: {  	[smem:$0x3FB2] =	sst s8  }
0x11: {  	[smem:$0x3FB3] =	sst s9;
	s0 =	simm.s32 @!p0 $0x0  }
0x12: {  	s1 =	sld [smem:$0x3F99];
	s0 =	simm.s32 @p0 $0x1  }
0x13: {  	[smem:$0x3FB4] =	sst s0;
	s0 =	simm.s32 @!p1 $0x0  }
0x14: {  	s2 =	sld [smem:$0x3F98];
	s0 =	simm.s32 @p1 $0x1  }
0x15: {  	[smem:$0x3FB5] =	sst s0;
	s0 =	simm.s32 @!p2 $0x0  }
0x16: {  	s3 =	sld [smem:$0x3FDB];
	s0 =	simm.s32 @p2 $0x1  }
0x17: {  	s4 =	simm.s32 $0x1BF5;
	[smem:$0x3FB7] =	sst s0  }
0x18: {  	s0 =	sld [smem:$0x3F9A];
	_ =	swait.ge [sflag:s4], $0x0  }
0x19: {  	s7 =	sld [smem:$0x3F9B]  }
0x1a: {  	s8 =	sadd.s32 $0xFFFFE003, lr  }
0x1b: {  	s9 =	sadd.s32 $0xFFFFFEF7, lr;
	s5 =	simm.s32 $0xFFFFFFFF;
	p2 =	slt.u32 s8, $0xFFFFF086  }
0x1c: {  	p1 =	slt.u32 s9, $0xF7A;
	s5 =	simm.s32 @!p2 $0x0  }
0x1d: {  	s5 =	simm.s32 @p1 $0x1;
	p0 =	seq.s32 s7, s2  }
0x1e: {  	s7 =	smul.u32 @!p0 $0xF7A, s2;
	p2 =	seq.s32 @!p0 s5, $0x0  }
0x1f: {  	s9 =	smul.u32 $0xF7A, s1;
	s8 =	simm.s32 @!p0 $0x1BF5;
	p2 =	por !p2, p0  }
0x20: {  	[sflag:s8] =	ssyncset.s32 @!p0 $0xFFFFF086;
	s6 =	sadd.s32 @!p0 s3, s7;
	s7 =	simm.s32 @!p0 $0x108  }
0x21: {  	s3 =	sadd.s32 s3, s9;
	s6 =	sadd.s32 @!p0 $0x88, s6;
	s7 =	simm.s32 @p2 $0x1082  }
0x22: {  	[simem:s7], [sflag:s8] =	dma.local @!p0 [hbm:s6], $0xF7A  }
0x23: {  	s9 =	sor.u32 $0xD0000000, s2;
	s6 =	simm.s32 $0x108;
	_ =	swait.ge @!p0 [sflag:s8], $0x0  }
0x24: {  	s3 =	sadd.s32 $0x88, s3;
	s6 =	simm.s32 @!p1 $0x1082;
	[sflag:s4] =	ssyncset.s32 $0xFFFFF086  }
0x25: {  	[simem:s6], [sflag:s4] =	dma.local [hbm:s3], $0xF7A  }
0x26: {  	[smem:$0x3F9B] =	sst s1;
	(tag) =	ssettag s2;
	_ =	strace s9  }
0x27: {  	s1 =	sld [smem:$0x3FAB]  }
0x28: {  	s2 =	sld [smem:$0x3FAC]  }
0x29: {  	s4 =	sld [smem:$0x3FAE]  }
0x2a: {  	p0 =	seq.s32 s5, $0x0;
	s5 =	sld [smem:$0x3FAF]  }
0x2b: {  	s6 =	sld [smem:$0x3FB0]  }
0x2c: {  	s7 =	sld [smem:$0x3FB1]  }
0x2d: {  	s3 =	simm.s32 $0x108;
	s8 =	sld [smem:$0x3FB2]  }
0x2e: {  	s3 =	simm.s32 @!p0 $0x1082;
	s9 =	sld [smem:$0x3FB3]  }
0x2f: {  	lr =	sadd.s32 s0, s3;
	s0 =	sld [smem:$0x3FAA]  }
0x30: {  	s3 =	sld [smem:$0x3FAD]  }
0x31: {  	[smem:$0x3FB6] =	sst s10  }
0x32: {  	s10 =	sld [smem:$0x3FB4];
	_ =	sdelay $0x3  }
0x33: {  	p0 =	seq.s32 s10, $0x1;
	s10 =	sld [smem:$0x3FB6];
	_ =	sdelay $0x3  }
0x34: {  	[smem:$0x3FB6] =	sst s10  }
0x35: {  	s10 =	sld [smem:$0x3FB5];
	_ =	sdelay $0x3  }
0x36: {  	p1 =	seq.s32 s10, $0x1;
	s10 =	sld [smem:$0x3FB6];
	_ =	sdelay $0x3  }
0x37: {  	[smem:$0x3FB6] =	sst s10  }
0x38: {  	s10 =	sld [smem:$0x3FB7]  }
0x39: {  	_ = 	snop;
	(pc) =	sbr.ind lr, $3  }
0x3a: {  	_ = 	snop  }
0x3b: {  	_ = 	snop  }
0x3c: {  	p2 =	seq.s32 s10, $0x1;
	s10 =	sld [smem:$0x3FB6]  }
0x3d: {  	_ =	shalt  }
0x3e: {  	_ =	shalt  }
0x3f: {  	_ =	shalt  }
0x40: {  	_ =	shalt  }
0x41: {  	_ =	shalt  }
0x42: {  	_ =	shalt  }
0x43: {  	_ =	shalt  }
0x44: {  	_ =	shalt  }
0x45: {  	_ =	shalt  }
0x46: {  	_ =	shalt  }
0x47: {  	_ =	shalt  }
0x48: {  	_ =	shalt  }
0x49: {  	_ =	shalt  }
0x4a: {  	_ =	shalt  }
0x4b: {  	_ =	shalt  }
0x4c: {  	_ =	shalt  }
0x4d: {  	_ =	shalt  }
0x4e: {  	_ =	shalt  }
0x4f: {  	_ =	shalt  }
0x50: {  	_ =	shalt  }
0x51: {  	_ =	shalt  }
0x52: {  	_ =	shalt  }
0x53: {  	_ =	shalt  }
0x54: {  	_ =	shalt  }
0x55: {  	_ =	shalt  }
0x56: {  	_ =	shalt  }
0x57: {  	_ =	shalt  }
0x58: {  	_ =	shalt  }
0x59: {  	_ =	shalt  }
0x5a: {  	_ =	shalt  }
0x5b: {  	_ =	shalt  }
0x5c: {  	_ =	shalt  }
0x5d: {  	_ =	shalt  }
0x5e: {  	_ =	shalt  }
0x5f: {  	_ =	shalt  }
0x60: {  	_ =	shalt  }
0x61: {  	_ =	shalt  }
0x62: {  	_ =	shalt  }
0x63: {  	_ =	shalt  }
0x64: {  	_ =	shalt  }
0x65: {  	_ =	shalt  }
0x66: {  	_ =	shalt  }
0x67: {  	_ =	shalt  }
0x68: {  	_ =	shalt  }
0x69: {  	_ =	shalt  }
0x6a: {  	_ =	shalt  }
0x6b: {  	_ =	shalt  }
0x6c: {  	_ =	shalt  }
0x6d: {  	_ =	shalt  }
0x6e: {  	_ =	shalt  }
0x6f: {  	_ =	shalt  }
0x70: {  	_ =	shalt  }
0x71: {  	_ =	shalt  }
0x72: {  	_ =	shalt  }
0x73: {  	_ =	shalt  }
0x74: {  	_ =	shalt  }
0x75: {  	_ =	shalt  }
0x76: {  	_ =	shalt  }
0x77: {  	_ =	shalt  }
0x78: {  	_ =	shalt  }
0x79: {  	_ =	shalt  }
0x7a: {  	_ =	shalt  }
0x7b: {  	_ =	shalt  }
0x7c: {  	_ =	shalt  }
0x7d: {  	_ =	shalt  }
0x7e: {  	_ =	shalt  }
0x7f: {  	_ =	shalt  }
0x80: {  	_ =	shalt  }
0x81: {  	_ =	shalt  }
0x82: {  	_ =	shalt  }
0x83: {  	_ =	shalt  }
0x84: {  	_ =	shalt  }
0x85: {  	_ =	shalt  }
0x86: {  	_ =	shalt  }
0x87: {  	_ =	shalt  }
.Lfunc_end0:
.L_simem_size_0:
called_computation_lowered:
.L_overlay_start_0:
0x88: {  	s2 =	sld [smem:$0x3FD9]  }
0x89: {  	s3 =	sld [smem:$0x3FFE];
	_ =	sdelay $0x1  }
0x8a: {  	s1 =	srdreg.scid  }
0x8b: {  	s0 =	sand.u32 $0x1, s1  }
0x8c: {  	s14 =	sshll.u32 s0, $0xA;
	s2 =	sadd.s32 s3, s2  }
0x8d: {  	s2 =	sadd.s32 s2, s14  }
0x8e: {  	[smem:$0x3FC2] =	sst s2  }
0x8f: {  	_ = 	snop  }
0x90: {  	s2 =	sld [smem:$0x3FD0];
	_ =	sdelay $0x2  }
0x91: {  	s15 =	simm.s32 $0xA;
	s4 =	simm.s32 $0x10  }
0x92: {  	[smem:s4], [sflag:s15] =	dma.local [hbm:s2], $0x1  }
0x93: {  	_ =	swait.eq [sflag:s15], $0x1  }
0x94: {  	[sflag:s15] =	ssyncset.done $0x0  }
0x95: {  	s16 =	sld [smem:$0x10];
	[sflag:s15] =	ssyncadd.s32 $0xFFFFFFFF  }
0x96: {  	s17 =	sld [smem:$0x12];
	(tm) =	ssettm $0x1  }
0x97: {  	s18 =	sld [smem:$0x3FFB];
	_ =	sdelay $0x3  }
0x98: {  	_ =	strace s18  }
0x99: {  	s4 =	sld [smem:$0x3FFC];
	_ =	sdelay $0x3  }
0x9a: {  	_ =	strace s4  }
0x9b: {  	s4 =	sld [smem:$0x3FFD];
	_ =	sdelay $0x3  }
0x9c: {  	_ =	strace s4  }
0x9d: {  	_ =	strace $0x8FFFFFFF  }
0x9e: {  	s19 =	sld [smem:$0x3FDB];
	_ =	sdelay $0x1  }
0x9f: {  	s5 =	simm.s32 $_scs_section_size  }
0xa0: {  	s6 =	simm.s32 $_size__tile_overlayer_lowered;
	s7 =	simm.s32 $_tile_overlayer_lowered  }
0xa1: {  	s22 =	simm.s32 $0x1BFF;
	s21 =	sshll.u32 s7, $0x1;
	s4 =	sadd.s32 s5, s19  }
0xa2: {  	s8 =	simm.s32 $0x0;
	s20 =	sshll.u32 s6, $0x1;
	s6 =	sadd.s32 s21, s4  }
0xa3: {  	[timem:s8], [sflag:s22] =	dma.local [hbm:s6], s20  }
0xa4: {  	_ =	swait.ge [sflag:s22], s20  }
0xa5: {  	s5 =	ssub.s32 $0x0, s20;
	[sflag:s22] =	ssyncset.done $0x0  }
0xa6: {  	[sflag:s22] =	ssyncadd.s32 s5;
	_ =	sdelay $0x1  }
0xa7: {  	s23 =	simm.s32 $0x1B8B  }
0xa8: {  	_ =	swait.ge [sflag:s23], $0x1  }
0xa9: {  	[sflag:s23] =	ssyncset.done $0x0  }
0xaa: {  	s25 =	simm.s32 $0x1B8E;
	s24 =	sld [smem:$0x3FFE];
	[sflag:s23] =	ssyncadd.s32 $0xFFFFFFFF  }
0xab: {  	s26 =	simm.s32 $execute0_lowered;
	[smem:$0x3FD2] =	sst s25  }
0xac: {  	s6 =	sshll.u32 s26, $0x1;
	_ =	strace $0x80000046;
	[dreg:$0x1] =	wrdreg $0xFFFFFFFF  }
0xad: {  	s28 =	simm.s32 $_size_execute0_lowered;
	s4 =	sadd.s32 s4, s6;
	[dreg:$0x0] =	wrdreg $0x0  }
0xae: {  	s6 =	sshll.u32 s28, $0x1;
	[dreg:$0x2] =	wrdreg s4  }
0xaf: {  	[dreg:$0x3] =	wrdreg s6  }
0xb0: {  	[dreg:$0x4] =	wrdreg $0xC0  }
0xb1: {  	_ =	task [dreg:s8], $0x5FFFF  }
0xb2: {  	[dreg:$0x1] =	wrdreg $0xFFFFFFFF  }
0xb3: {  	[dreg:$0x0] =	wrdreg $0x60  }
0xb4: {  	[dreg:$0x2] =	wrdreg s17  }
0xb5: {  	[dreg:$0x3] =	wrdreg s16  }
0xb6: {  	[dreg:$0x4] =	wrdreg s24  }
0xb7: {  	[dreg:$0x5] =	wrdreg $0xA8000  }
0xb8: {  	[dreg:$0x6] =	wrdreg $0x9  }
0xb9: {  	_ =	task.clear_ibuf [dreg:s8], $0x7FFFF;
	_ =	strace $0x90000046  }
0xba: {  	s29 =	simm.s32 $0x9;
	_ =	strace $0x80000048  }
0xbb: {  	_ =	swait.ge [sflag:s29], $0x1  }
0xbc: {  	[sflag:s29] =	ssyncadd.s32 $0xFFFFFFFF  }
0xbd: {  	_ =	strace $0x90000048  }
0xbe: {  	_ =	sfence  }
0xbf: {  	s30 =	sld [smem:$0x0];
	_ =	sdelay $0x2  }
0xc0: {  	s31 =	sshll.u32 s1, $0xD;
	s1 =	sshrl.u32 s1, $0x2  }
0xc1: {  	s3 =	sand.u32 $0x4000, s31;
	s1 =	sadd.s32 s1, s30  }
0xc2: {  	s0 =	sor.u32 s3, s0;
	s1 =	sshll.u32 s1, $0x11  }
0xc3: {  	s0 =	sor.u32 s1, s0  }
0xc4: {  	s0 =	sadd.s32 $0x8F2B, s0  }
0xc5: {  	[sflag:s0] =	ssyncadd.remote.s32 $0x1  }
0xc6: {  	_ =	sfence.sel $0xFFFF  }
0xc7: {  	[dreg:$0x0] =	wrdreg $0xFFFFFFFF;
	(pc) =	sbr.abs _section_cstart, $3  }
0xc8: {  	[dreg:$0x1] =	wrdreg $0xFFFFFFFF  }
0xc9: {  	_ =	task.clear_ibuf [dreg:s8], $0x2FFFF;
	_ =	strace $0x9FFFFFFF  }
0xca: {  	(tm) =	ssettm $0x7FFFFFFF  }
0xcb: {  	_ =	shalt  }
tec
execute0_lowered:
.L_overlay_start_1:
0x0: {  	(tag) =	ssettag $0x1  }
0x1: {  	s11 =	rddreg [dreg:$0x0]  }
0x2: {  	s0 =	rddreg [dreg:$0x1]  }
0x3: {  	s6 =	rddreg [dreg:$0x2]  }
0x4: {  	s1 =	srdreg.scid;
	s3 =	rddreg [dreg:$0x3]  }
0x5: {  	s2 =	stileid.u32;
	s4 =	simm.s32 $0x0;
	s15 =	simm.s32 $0x1  }
0x6: {  	s16 =	simm.s32 $0x6800;
	s17 =	simm.s32 $0x80;
	s20 =	simm.s32 $0x0  }
0x7: {  	s7 =	sand.u32 $0x1, s1;
	s1 =	rddreg [dreg:$0x4];
	s8 =	smul.u32 $0x14000, s2  }
0x8: {  	[smem:$0x7FF] =	sst s4;
	s9 =	smul.u32 $0x50000, s2;
	s31 =	sshll.u32 s2, $0x1  }
0x9: {  	s18 =	sshll.u32 s2, $0x6;
	s5 =	smul.u32 $0x140000, s7;
	_ =	strace $0x80000047  }
0xa: {  	s30 =	ssub.s32 $0x2, s7;
	s7 =	sor.u32 s7, s31;
	s18 =	sor.u32 $0x1C01, s18  }
0xb: {  	s10 =	sshrl.u32 s30, $0x1;
	s9 =	sshrl.u32 s9, $0x2;
	s14 =	smul.u32 $0x500, s7  }
0xc: {  	s8 =	sadd.s32 s8, s5;
	s5 =	sadd.s32 $0x1A00, s6;
	s13 =	ssub.s32 s30, s10  }
0xd: {  	s8 =	sshrl.u32 s8, $0x3;
	s11 =	sadd.s32 s11, s14;
	s13 =	smax.u32 s13, $0x1  }
0xe: {  	s14 =	simm.s32 $0x2800;
	s12 =	sadd.s32 s8, s6;
	s6 =	sadd.s32 s9, s3  }
0xf: {  	s7 =	sadd.s32 $0x4000, s6;
	s8 =	sadd.s32 $0x8000, s6;
	s9 =	sadd.s32 $0xC000, s6  }
0x10: {  	s10 =	sadd.s32 $0x10000, s6;
	s12 =	sadd.s32 $0x2200, s12;
	s19 =	sshrl.u32 s6, $0x3  }
.LBB2_1:
0x11: {  	[tilespmem:s14], [sflag:$0x1] =	stream.linear.gather [hbm4b:s0+s4], $0x4000, $0x38;
	[tilespmem:$0x1E800] =	vst v63  }
0x12: {  	_ =	swait.ge [sflag:s15], $0x4000  }
0x13: {  	[sflag:s15] =	ssyncset.done $0x0  }
0x14: {  	[sflag:s15] =	ssyncadd.s32 $0xFFFFC000  }
0x15: {  	[tilespmem:s16], [sflag:$0x1] =	stream.linear.gather [hbm4b:s5+s4], $0x4000, $0x38;
	[tilespmem:$0x1E800] =	vst v63  }
0x16: {  	_ =	swait.ge [sflag:s15], $0x4000  }
0x17: {  	[sflag:s15] =	ssyncset.done $0x0  }
0x18: {  	[sflag:s15] =	ssyncadd.s32 $0xFFFFC000  }
0x19: {  	[spmem:s6] =	stream.linear.scatter [tilespmem:s16], [sflag:$0x1], $0x4000, $0x38;
	[tilespmem:$0x1E800] =	vst v63  }
0x1a: {  	_ =	swait.ge [sflag:s15], $0x4000  }
0x1b: {  	[sflag:s15] =	ssyncset.done $0x0  }
0x1c: {  	[sflag:s15] =	ssyncadd.s32 $0xFFFFC000  }
0x1d: {  	[spmem:s7] =	stream.linear.scatter [tilespmem:s16], [sflag:$0x1], $0x4000, $0x38;
	[tilespmem:$0x1E800] =	vst v63  }
0x1e: {  	_ =	swait.ge [sflag:s15], $0x4000  }
0x1f: {  	[sflag:s15] =	ssyncset.done $0x0  }
0x20: {  	[sflag:s15] =	ssyncadd.s32 $0xFFFFC000  }
0x21: {  	[spmem:s8] =	stream.linear.scatter [tilespmem:s16], [sflag:$0x1], $0x4000, $0x38;
	[tilespmem:$0x1E800] =	vst v63  }
0x22: {  	_ =	swait.ge [sflag:s15], $0x4000  }
0x23: {  	[sflag:s15] =	ssyncset.done $0x0  }
0x24: {  	[sflag:s15] =	ssyncadd.s32 $0xFFFFC000  }
0x25: {  	[spmem:s9] =	stream.linear.scatter [tilespmem:s16], [sflag:$0x1], $0x4000, $0x38;
	[tilespmem:$0x1E800] =	vst v63  }
0x26: {  	_ =	swait.ge [sflag:s15], $0x4000  }
0x27: {  	[sflag:s15] =	ssyncset.done $0x0  }
0x28: {  	[sflag:s15] =	ssyncadd.s32 $0xFFFFC000  }
0x29: {  	[spmem:s10] =	stream.linear.scatter [tilespmem:s16], [sflag:$0x1], $0x4000, $0x38;
	[tilespmem:$0x1E800] =	vst v63  }
0x2a: {  	_ =	swait.ge [sflag:s15], $0x4000  }
0x2b: {  	[sflag:s15] =	ssyncset.done $0x0  }
0x2c: {  	[sflag:s15] =	ssyncadd.s32 $0xFFFFC000  }
0x2d: {  	[bflag:$0x0] =	sbarrier.arrive $0xFFFF  }
0x2e: {  	[tilespmem:s4], [sflag:$0x1] =	stream.linear.gather [hbm4b:s11+s4], $0x2800, $0x38;
	[tilespmem:$0x1E800] =	vst v63  }
0x2f: {  	_ =	swait.ge [sflag:s15], $0x2800  }
0x30: {  	[sflag:s15] =	ssyncset.done $0x0  }
0x31: {  	s21 =	simm.s32 $0x0;
	[sflag:s15] =	ssyncadd.s32 $0xFFFFD800  }
0x32: {  	[spmem:s3] =	stream.indirect.scatter.add.f32 [tilespmem:s14], [sflag:$0x1], $0x80, s21, s17, $0xb8;
	[tilespmem:$0x1E800] =	vst v63  }
0x33: {  	_ =	swait.ge [sflag:s15], $0x4000  }
0x34: {  	s21 =	simm.s32 $0x200;
	[sflag:s15] =	ssyncset.done $0x0  }
.LBB2_2:
0x35: {  	s22 =	sshra.s32 s21, $0x2;
	[sflag:s15] =	ssyncadd.s32 $0xFFFFC000;
	p0 =	sne.s32 s21, $0x9E00  }
0x36: {  	[spmem:s3] =	stream.indirect.scatter.add.f32 [tilespmem:s14], [sflag:$0x1], $0x80, s22, s17, $0xb8;
	[tilespmem:$0x1E800] =	vst v63  }
.Ltmp0:
0x37: {  	_ = 	snop;
	(pc) =	sbr.rel @p0 .LBB2_2-.Ltmp0, $4  }
0x38: {  	_ = 	snop  }
0x39: {  	s21 =	sadd.s32 $0x200, s21  }
0x3a: {  	_ =	swait.ge [sflag:s15], $0x4000  }
0x3b: {  	[sflag:s15] =	ssyncset.done $0x0  }
0x3c: {  	s20 =	sadd.s32 $0x1, s20  }
0x3d: {  	[sflag:s15] =	ssyncadd.s32 $0xFFFFC000;
	p0 =	sne.s32 s20, s13  }
.Ltmp1:
0x3e: {  	[bflag:$0x0] =	sbarrier.arrive $0xFFFF;
	(pc) =	sbr.rel @p0 .LBB2_1-.Ltmp1, $4  }
0x3f: {  	[hbm:s12], [sflag:s18] =	dma.local [spmem:s19], $0x2800  }
0x40: {  	_ =	swait.ge [sflag:s15], $0x2800  }
0x41: {  	[sflag:s15] =	ssyncset.done $0x0  }
0x42: {  	[sflag:s15] =	ssyncadd.s32 $0xFFFFD800  }
0x43: {  	_ =	sfence.sel $0x180000  }
0x44: {  	[bflag:$0x0] =	sbarrier.arrive $0xFFFF  }
0x45: {  	p0 =	sne.s32 s2, $0x0;
	_ =	strace $0x90000047  }
0x46: {  	s0 =	sadd.s32 @!p0 $0x100000, s1;
	[bflag:$0x2] =	sbarrier.arrive $0xFFFF  }
0x47: {  	[sflag:s0] =	ssyncadd.tile.s32 @!p0 $0x1;
	_ =	shalt  }
.Lfunc_end2:
_tile_overlayer_lowered:
.L_overlay_start_2:
0x48: {  	(tag) =	ssettag $0x2  }
0x49: {  	s0 =	rddreg [dreg:$0x0];
	s2 =	stileid.u32  }
0x4a: {  	s1 =	rddreg [dreg:$0x1];
	p0 =	sne.s32 s2, $0x0  }
0x4b: {  	s3 =	rddreg [dreg:$0x2];
	[bflag:$0x3] =	sbarrier.arrive $0xFFFF;
	s2 =	simm.s32 @!p0 $0x1C01  }
0x4c: {  	[timem:s3], [sflag:s2] =	dma.local @!p0 [hbm:s0], s1  }
0x4d: {  	s0 =	simm.s32 @!p0 $0x1  }
0x4e: {  	_ =	swait.ge @!p0 [sflag:s0], s1  }
0x4f: {  	s1 =	ssub.s32 @!p0 $0x0, s1;
	[sflag:s0] =	ssyncset.done @!p0 $0x0  }
0x50: {  	[sflag:s0] =	ssyncadd.s32 @!p0 s1  }
0x51: {  	[bflag:$0x3] =	sbarrier.arrive $0xFFFF  }
0x52: {  	_ =	shalt  }

// kernel: kernel.9.cloned.1.call-start
scs
__scs_entry_jumppad:
0x0: {  	(pc) =	sbr.rel $0x88, $3  }
0x1: {  	(tag) =	ssettag $0x0;
	lr =	simm.s32 $0x1  }
0x2: {  	[smem:$0x3F9B] =	sst lr;
	_ =	strace $0xD0000000  }
0x3: {  	_ = 	snop  }
0x4: {  	_ = 	snop  }
0x5: {  	_ = 	snop  }
0x6: {  	_ = 	snop  }
0x7: {  	_ = 	snop  }
__scs_overlays_trampoline_lowered:
0x8: {  	[smem:$0x3FAA] =	sst s0  }
0x9: {  	[smem:$0x3FAB] =	sst s1  }
0xa: {  	[smem:$0x3FAC] =	sst s2  }
0xb: {  	[smem:$0x3FAD] =	sst s3  }
0xc: {  	[smem:$0x3FAE] =	sst s4  }
0xd: {  	[smem:$0x3FAF] =	sst s5  }
0xe: {  	[smem:$0x3FB0] =	sst s6  }
0xf: {  	[smem:$0x3FB1] =	sst s7  }
0x10: {  	[smem:$0x3FB2] =	sst s8  }
0x11: {  	[smem:$0x3FB3] =	sst s9;
	s0 =	simm.s32 @!p0 $0x0  }
0x12: {  	s1 =	sld [smem:$0x3F99];
	s0 =	simm.s32 @p0 $0x1  }
0x13: {  	[smem:$0x3FB4] =	sst s0;
	s0 =	simm.s32 @!p1 $0x0  }
0x14: {  	s2 =	sld [smem:$0x3F98];
	s0 =	simm.s32 @p1 $0x1  }
0x15: {  	[smem:$0x3FB5] =	sst s0;
	s0 =	simm.s32 @!p2 $0x0  }
0x16: {  	s3 =	sld [smem:$0x3FDB];
	s0 =	simm.s32 @p2 $0x1  }
0x17: {  	s4 =	simm.s32 $0x1BF5;
	[smem:$0x3FB7] =	sst s0  }
0x18: {  	s0 =	sld [smem:$0x3F9A];
	_ =	swait.ge [sflag:s4], $0x0  }
0x19: {  	s7 =	sld [smem:$0x3F9B]  }
0x1a: {  	s8 =	sadd.s32 $0xFFFFE003, lr  }
0x1b: {  	s9 =	sadd.s32 $0xFFFFFEF7, lr;
	s5 =	simm.s32 $0xFFFFFFFF;
	p2 =	slt.u32 s8, $0xFFFFF086  }
0x1c: {  	p1 =	slt.u32 s9, $0xF7A;
	s5 =	simm.s32 @!p2 $0x0  }
0x1d: {  	s5 =	simm.s32 @p1 $0x1;
	p0 =	seq.s32 s7, s2  }
0x1e: {  	s7 =	smul.u32 @!p0 $0xF7A, s2;
	p2 =	seq.s32 @!p0 s5, $0x0  }
0x1f: {  	s9 =	smul.u32 $0xF7A, s1;
	s8 =	simm.s32 @!p0 $0x1BF5;
	p2 =	por !p2, p0  }
0x20: {  	[sflag:s8] =	ssyncset.s32 @!p0 $0xFFFFF086;
	s6 =	sadd.s32 @!p0 s3, s7;
	s7 =	simm.s32 @!p0 $0x108  }
0x21: {  	s3 =	sadd.s32 s3, s9;
	s6 =	sadd.s32 @!p0 $0x88, s6;
	s7 =	simm.s32 @p2 $0x1082  }
0x22: {  	[simem:s7], [sflag:s8] =	dma.local @!p0 [hbm:s6], $0xF7A  }
0x23: {  	s9 =	sor.u32 $0xD0000000, s2;
	s6 =	simm.s32 $0x108;
	_ =	swait.ge @!p0 [sflag:s8], $0x0  }
0x24: {  	s3 =	sadd.s32 $0x88, s3;
	s6 =	simm.s32 @!p1 $0x1082;
	[sflag:s4] =	ssyncset.s32 $0xFFFFF086  }
0x25: {  	[simem:s6], [sflag:s4] =	dma.local [hbm:s3], $0xF7A  }
0x26: {  	[smem:$0x3F9B] =	sst s1;
	(tag) =	ssettag s2;
	_ =	strace s9  }
0x27: {  	s1 =	sld [smem:$0x3FAB]  }
0x28: {  	s2 =	sld [smem:$0x3FAC]  }
0x29: {  	s4 =	sld [smem:$0x3FAE]  }
0x2a: {  	p0 =	seq.s32 s5, $0x0;
	s5 =	sld [smem:$0x3FAF]  }
0x2b: {  	s6 =	sld [smem:$0x3FB0]  }
0x2c: {  	s7 =	sld [smem:$0x3FB1]  }
0x2d: {  	s3 =	simm.s32 $0x108;
	s8 =	sld [smem:$0x3FB2]  }
0x2e: {  	s3 =	simm.s32 @!p0 $0x1082;
	s9 =	sld [smem:$0x3FB3]  }
0x2f: {  	lr =	sadd.s32 s0, s3;
	s0 =	sld [smem:$0x3FAA]  }
0x30: {  	s3 =	sld [smem:$0x3FAD]  }
0x31: {  	[smem:$0x3FB6] =	sst s10  }
0x32: {  	s10 =	sld [smem:$0x3FB4];
	_ =	sdelay $0x3  }
0x33: {  	p0 =	seq.s32 s10, $0x1;
	s10 =	sld [smem:$0x3FB6];
	_ =	sdelay $0x3  }
0x34: {  	[smem:$0x3FB6] =	sst s10  }
0x35: {  	s10 =	sld [smem:$0x3FB5];
	_ =	sdelay $0x3  }
0x36: {  	p1 =	seq.s32 s10, $0x1;
	s10 =	sld [smem:$0x3FB6];
	_ =	sdelay $0x3  }
0x37: {  	[smem:$0x3FB6] =	sst s10  }
0x38: {  	s10 =	sld [smem:$0x3FB7]  }
0x39: {  	_ = 	snop;
	(pc) =	sbr.ind lr, $3  }
0x3a: {  	_ = 	snop  }
0x3b: {  	_ = 	snop  }
0x3c: {  	p2 =	seq.s32 s10, $0x1;
	s10 =	sld [smem:$0x3FB6]  }
0x3d: {  	_ =	shalt  }
0x3e: {  	_ =	shalt  }
0x3f: {  	_ =	shalt  }
0x40: {  	_ =	shalt  }
0x41: {  	_ =	shalt  }
0x42: {  	_ =	shalt  }
0x43: {  	_ =	shalt  }
0x44: {  	_ =	shalt  }
0x45: {  	_ =	shalt  }
0x46: {  	_ =	shalt  }
0x47: {  	_ =	shalt  }
0x48: {  	_ =	shalt  }
0x49: {  	_ =	shalt  }
0x4a: {  	_ =	shalt  }
0x4b: {  	_ =	shalt  }
0x4c: {  	_ =	shalt  }
0x4d: {  	_ =	shalt  }
0x4e: {  	_ =	shalt  }
0x4f: {  	_ =	shalt  }
0x50: {  	_ =	shalt  }
0x51: {  	_ =	shalt  }
0x52: {  	_ =	shalt  }
0x53: {  	_ =	shalt  }
0x54: {  	_ =	shalt  }
0x55: {  	_ =	shalt  }
0x56: {  	_ =	shalt  }
0x57: {  	_ =	shalt  }
0x58: {  	_ =	shalt  }
0x59: {  	_ =	shalt  }
0x5a: {  	_ =	shalt  }
0x5b: {  	_ =	shalt  }
0x5c: {  	_ =	shalt  }
0x5d: {  	_ =	shalt  }
0x5e: {  	_ =	shalt  }
0x5f: {  	_ =	shalt  }
0x60: {  	_ =	shalt  }
0x61: {  	_ =	shalt  }
0x62: {  	_ =	shalt  }
0x63: {  	_ =	shalt  }
0x64: {  	_ =	shalt  }
0x65: {  	_ =	shalt  }
0x66: {  	_ =	shalt  }
0x67: {  	_ =	shalt  }
0x68: {  	_ =	shalt  }
0x69: {  	_ =	shalt  }
0x6a: {  	_ =	shalt  }
0x6b: {  	_ =	shalt  }
0x6c: {  	_ =	shalt  }
0x6d: {  	_ =	shalt  }
0x6e: {  	_ =	shalt  }
0x6f: {  	_ =	shalt  }
0x70: {  	_ =	shalt  }
0x71: {  	_ =	shalt  }
0x72: {  	_ =	shalt  }
0x73: {  	_ =	shalt  }
0x74: {  	_ =	shalt  }
0x75: {  	_ =	shalt  }
0x76: {  	_ =	shalt  }
0x77: {  	_ =	shalt  }
0x78: {  	_ =	shalt  }
0x79: {  	_ =	shalt  }
0x7a: {  	_ =	shalt  }
0x7b: {  	_ =	shalt  }
0x7c: {  	_ =	shalt  }
0x7d: {  	_ =	shalt  }
0x7e: {  	_ =	shalt  }
0x7f: {  	_ =	shalt  }
0x80: {  	_ =	shalt  }
0x81: {  	_ =	shalt  }
0x82: {  	_ =	shalt  }
0x83: {  	_ =	shalt  }
0x84: {  	_ =	shalt  }
0x85: {  	_ =	shalt  }
0x86: {  	_ =	shalt  }
0x87: {  	_ =	shalt  }
.Lfunc_end0:
.L_simem_size_0:
called_computation.1_lowered:
.L_overlay_start_0:
0x88: {  	s2 =	sld [smem:$0x3FD9]  }
0x89: {  	s3 =	sld [smem:$0x3FFE];
	_ =	sdelay $0x1  }
0x8a: {  	s1 =	srdreg.scid  }
0x8b: {  	s0 =	sand.u32 $0x1, s1  }
0x8c: {  	s14 =	sshll.u32 s0, $0xA;
	s2 =	sadd.s32 s3, s2  }
0x8d: {  	s2 =	sadd.s32 s2, s14  }
0x8e: {  	[smem:$0x3FC2] =	sst s2  }
0x8f: {  	_ = 	snop  }
0x90: {  	s2 =	sld [smem:$0x3FD0];
	_ =	sdelay $0x2  }
0x91: {  	s15 =	simm.s32 $0xA;
	s4 =	simm.s32 $0x10  }
0x92: {  	[smem:s4], [sflag:s15] =	dma.local [hbm:s2], $0x1  }
0x93: {  	_ =	swait.eq [sflag:s15], $0x1  }
0x94: {  	[sflag:s15] =	ssyncset.done $0x0  }
0x95: {  	s16 =	sld [smem:$0x11];
	[sflag:s15] =	ssyncadd.s32 $0xFFFFFFFF  }
0x96: {  	s17 =	sld [smem:$0x12];
	(tm) =	ssettm $0x1  }
0x97: {  	s18 =	sld [smem:$0x3FFB];
	_ =	sdelay $0x3  }
0x98: {  	_ =	strace s18  }
0x99: {  	s4 =	sld [smem:$0x3FFC];
	_ =	sdelay $0x3  }
0x9a: {  	_ =	strace s4  }
0x9b: {  	s4 =	sld [smem:$0x3FFD];
	_ =	sdelay $0x3  }
0x9c: {  	_ =	strace s4  }
0x9d: {  	_ =	strace $0x8FFFFFFF  }
0x9e: {  	s19 =	sld [smem:$0x3FDB];
	_ =	sdelay $0x1  }
0x9f: {  	s5 =	simm.s32 $_scs_section_size  }
0xa0: {  	s6 =	simm.s32 $_size__tile_overlayer_lowered;
	s7 =	simm.s32 $_tile_overlayer_lowered  }
0xa1: {  	s22 =	simm.s32 $0x1BFF;
	s21 =	sshll.u32 s7, $0x1;
	s4 =	sadd.s32 s5, s19  }
0xa2: {  	s8 =	simm.s32 $0x0;
	s20 =	sshll.u32 s6, $0x1;
	s6 =	sadd.s32 s21, s4  }
0xa3: {  	[timem:s8], [sflag:s22] =	dma.local [hbm:s6], s20  }
0xa4: {  	_ =	swait.ge [sflag:s22], s20  }
0xa5: {  	s5 =	ssub.s32 $0x0, s20;
	[sflag:s22] =	ssyncset.done $0x0  }
0xa6: {  	[sflag:s22] =	ssyncadd.s32 s5;
	_ =	sdelay $0x1  }
0xa7: {  	s23 =	simm.s32 $0x1B8B  }
0xa8: {  	_ =	swait.ge [sflag:s23], $0x1  }
0xa9: {  	[sflag:s23] =	ssyncset.done $0x0  }
0xaa: {  	s25 =	simm.s32 $0x1B8E;
	s24 =	sld [smem:$0x3FFE];
	[sflag:s23] =	ssyncadd.s32 $0xFFFFFFFF  }
0xab: {  	s26 =	simm.s32 $execute0_lowered;
	[smem:$0x3FD2] =	sst s25  }
0xac: {  	s6 =	sshll.u32 s26, $0x1;
	_ =	strace $0x80000049;
	[dreg:$0x1] =	wrdreg $0xFFFFFFFF  }
0xad: {  	s28 =	simm.s32 $_size_execute0_lowered;
	s4 =	sadd.s32 s4, s6;
	[dreg:$0x0] =	wrdreg $0x0  }
0xae: {  	s6 =	sshll.u32 s28, $0x1;
	[dreg:$0x2] =	wrdreg s4  }
0xaf: {  	[dreg:$0x3] =	wrdreg s6  }
0xb0: {  	[dreg:$0x4] =	wrdreg $0xC0  }
0xb1: {  	_ =	task [dreg:s8], $0x5FFFF  }
0xb2: {  	[dreg:$0x1] =	wrdreg $0xFFFFFFFF  }
0xb3: {  	[dreg:$0x0] =	wrdreg $0x60  }
0xb4: {  	[dreg:$0x2] =	wrdreg s24  }
0xb5: {  	[dreg:$0x3] =	wrdreg s16  }
0xb6: {  	[dreg:$0x4] =	wrdreg s17  }
0xb7: {  	[dreg:$0x5] =	wrdreg $0xA8000  }
0xb8: {  	[dreg:$0x6] =	wrdreg $0x9  }
0xb9: {  	_ =	task.clear_ibuf [dreg:s8], $0x7FFFF;
	_ =	strace $0x90000049  }
0xba: {  	s29 =	simm.s32 $0x9;
	_ =	strace $0x8000004B  }
0xbb: {  	_ =	swait.ge [sflag:s29], $0x1  }
0xbc: {  	[sflag:s29] =	ssyncadd.s32 $0xFFFFFFFF  }
0xbd: {  	_ =	strace $0x9000004B  }
0xbe: {  	_ =	sfence  }
0xbf: {  	s30 =	sld [smem:$0x0];
	_ =	sdelay $0x2  }
0xc0: {  	s31 =	sshll.u32 s1, $0xD;
	s1 =	sshrl.u32 s1, $0x2  }
0xc1: {  	s3 =	sand.u32 $0x4000, s31;
	s1 =	sadd.s32 s1, s30  }
0xc2: {  	s0 =	sor.u32 s3, s0;
	s1 =	sshll.u32 s1, $0x11  }
0xc3: {  	s0 =	sor.u32 s1, s0  }
0xc4: {  	s0 =	sadd.s32 $0x8F2B, s0  }
0xc5: {  	[sflag:s0] =	ssyncadd.remote.s32 $0x1  }
0xc6: {  	_ =	sfence.sel $0xFFFF  }
0xc7: {  	[dreg:$0x0] =	wrdreg $0xFFFFFFFF;
	(pc) =	sbr.abs _section_cstart, $3  }
0xc8: {  	[dreg:$0x1] =	wrdreg $0xFFFFFFFF  }
0xc9: {  	_ =	task.clear_ibuf [dreg:s8], $0x2FFFF;
	_ =	strace $0x9FFFFFFF  }
0xca: {  	(tm) =	ssettm $0x7FFFFFFF  }
0xcb: {  	_ =	shalt  }
tec
execute0_lowered:
.L_overlay_start_1:
0x0: {  	(tag) =	ssettag $0x1  }
0x1: {  	s5 =	rddreg [dreg:$0x0]  }
0x2: {  	s12 =	rddreg [dreg:$0x1]  }
0x3: {  	s13 =	rddreg [dreg:$0x2]  }
0x4: {  	s0 =	srdreg.scid;
	s1 =	stileid.u32  }
0x5: {  	s2 =	rddreg [dreg:$0x3];
	s3 =	simm.s32 $0x0;
	s7 =	smul.u32 $0x14000, s1  }
0x6: {  	s18 =	simm.s32 $0x3400;
	s19 =	simm.s32 $0x80;
	s8 =	smul.u32 $0x50000, s1  }
0x7: {  	s10 =	sand.u32 $0x1, s0;
	s0 =	rddreg [dreg:$0x4];
	s11 =	smul.u32 $0x1C00, s1  }
0x8: {  	s20 =	simm.s32 $0x1;
	[smem:$0x7FF] =	sst s3;
	s16 =	smul.u32 $0x680, s1  }
0x9: {  	s4 =	sadd.s32 $0x1A00, s5;
	s6 =	smul.u32 $0x140000, s10;
	_ =	strace $0x8000004A  }
0xa: {  	s29 =	ssub.s32 $0x2, s10;
	p0 =	seq.s32 s10, $0x1;
	s8 =	sshrl.u32 s8, $0x2  }
0xb: {  	s30 =	sshrl.u32 s29, $0x1;
	s17 =	sshrl.u32 s11, $0x3;
	s10 =	sadd.s32 s12, s16  }
0xc: {  	s11 =	sadd.s32 s13, s16;
	s16 =	simm.s32 $0x6800;
	s6 =	sadd.s32 s7, s6  }
.Ltmp0:
0xd: {  	s15 =	ssub.s32 s29, s30;
	s31 =	sadd.s32 $0x6800, s17;
	(pc) =	sbr.rel .LBB2_1-.Ltmp0, $4  }
0xe: {  	s17 =	simm.s32 $0x2;
	s6 =	sshrl.u32 s6, $0x3;
	s12 =	sadd.s32 s12, s31  }
0xf: {  	s13 =	sadd.s32 s13, s31;
	s14 =	sadd.s32 s6, s5;
	s5 =	sadd.s32 s8, s2  }
0x10: {  	s15 =	smax.u32 s15, $0x1;
	s6 =	sadd.s32 $0x4000, s5;
	s7 =	sadd.s32 $0x8000, s5  }
0x11: {  	v0 =	vimm.f32 $0.0e+00;
	s8 =	sadd.s32 $0xC000, s5;
	s9 =	sadd.s32 $0x10000, s5;
	s14 =	sadd.s32 $0x7A200, s14  }
.LBB2_6:
0x12: {  	s21 =	sshra.s32 s21, $0x2;
	[sflag:s17] =	ssyncadd.s32 $0xFFFFC000  }
0x13: {  	[tilespmem:s16], [sflag:$0x1] =	stream.indirect.gather [hbm4b:s4+s19], $0x80, s21, s19, $0xb8;
	[tilespmem:$0x1E800] =	vst v63  }
0x14: {  	_ =	swait.ge [sflag:s20], $0x4000  }
0x15: {  	[sflag:s20] =	ssyncset.done $0x0  }
0x16: {  	s21 =	sadd.s32 $0x3400, s21;
	[sflag:s20] =	ssyncadd.s32 $0xFFFFC000  }
0x17: {  	[spmem:s2] =	stream.indirect.scatter.add.f32 [tilespmem:s16], [sflag:$0x2], $0x80, s21, s19, $0xb8;
	[tilespmem:$0x1E800] =	vst v63  }
0x18: {  	_ =	swait.ge [sflag:s17], $0x4000  }
0x19: {  	[sflag:s17] =	ssyncset.done $0x0  }
0x1a: {  	[sflag:s17] =	ssyncadd.s32 $0xFFFFC000  }
.LBB2_10:
0x1b: {  	s3 =	sadd.s32 $0x1, s3  }
0x1c: {  	s21 =	sshll.u32 s1, $0x6;
	[bflag:$0x0] =	sbarrier.arrive $0xFFFF;
	p1 =	sne.s32 s3, s15  }
.Ltmp1:
0x1d: {  	s22 =	sshrl.u32 s5, $0x3;
	s21 =	sor.u32 $0x1C02, s21;
	(pc) =	sbr.rel @!p1 .LBB2_11-.Ltmp1, $4  }
0x1e: {  	[hbm:s14], [sflag:s21] =	dma.local [spmem:s22], $0x2800  }
0x1f: {  	_ =	swait.ge [sflag:s17], $0x2800  }
0x20: {  	[sflag:s17] =	ssyncset.done $0x0  }
0x21: {  	[sflag:s17] =	ssyncadd.s32 $0xFFFFD800  }
.LBB2_1:
0x22: {  	s21 =	simm.s32 $0x0;
	s22 =	simm.s32 $0x200  }
.LBB2_2:
0x23: {  	p1 =	sne.s32 s22, $0xFE00;
	[tilespmem:s21+$0x6870] =	vst v0  }
0x24: {  	[tilespmem:s21+$0x6800] =	vst v0  }
0x25: {  	[tilespmem:s21+$0x6810] =	vst v0  }
.Ltmp2:
0x26: {  	[tilespmem:s21+$0x6820] =	vst v0;
	(pc) =	sbr.rel @p1 .LBB2_2-.Ltmp2, $4  }
0x27: {  	[tilespmem:s21+$0x6830] =	vst v0  }
0x28: {  	[tilespmem:s21+$0x6840] =	vst v0  }
0x29: {  	[tilespmem:s21+$0x6850] =	vst v0  }
0x2a: {  	[tilespmem:s21+$0x6860] =	vst v0;
	s21 =	sshra.s32 s22, $0x2;
	s22 =	sadd.s32 $0x200, s22  }
0x2b: {  	[tilespmem:s21+$0x6870] =	vst v0  }
0x2c: {  	[tilespmem:s21+$0x6800] =	vst v0  }
0x2d: {  	[tilespmem:s21+$0x6810] =	vst v0  }
0x2e: {  	[tilespmem:s21+$0x6820] =	vst v0  }
0x2f: {  	[tilespmem:s21+$0x6830] =	vst v0  }
0x30: {  	[tilespmem:s21+$0x6840] =	vst v0  }
0x31: {  	[tilespmem:s21+$0x6850] =	vst v0  }
0x32: {  	[tilespmem:s21+$0x6860] =	vst v0  }
0x33: {  	[spmem:s5] =	stream.linear.scatter [tilespmem:s16], [sflag:$0x2], $0x4000, $0x38;
	[tilespmem:$0x1E800] =	vst v63  }
0x34: {  	_ =	swait.ge [sflag:s17], $0x4000  }
0x35: {  	[sflag:s17] =	ssyncset.done $0x0  }
0x36: {  	[sflag:s17] =	ssyncadd.s32 $0xFFFFC000  }
0x37: {  	[spmem:s6] =	stream.linear.scatter [tilespmem:s16], [sflag:$0x2], $0x4000, $0x38;
	[tilespmem:$0x1E800] =	vst v63  }
0x38: {  	_ =	swait.ge [sflag:s17], $0x4000  }
0x39: {  	[sflag:s17] =	ssyncset.done $0x0  }
0x3a: {  	[sflag:s17] =	ssyncadd.s32 $0xFFFFC000  }
0x3b: {  	[spmem:s7] =	stream.linear.scatter [tilespmem:s16], [sflag:$0x2], $0x4000, $0x38;
	[tilespmem:$0x1E800] =	vst v63  }
0x3c: {  	_ =	swait.ge [sflag:s17], $0x4000  }
0x3d: {  	[sflag:s17] =	ssyncset.done $0x0  }
0x3e: {  	[sflag:s17] =	ssyncadd.s32 $0xFFFFC000  }
0x3f: {  	[spmem:s8] =	stream.linear.scatter [tilespmem:s16], [sflag:$0x2], $0x4000, $0x38;
	[tilespmem:$0x1E800] =	vst v63  }
0x40: {  	_ =	swait.ge [sflag:s17], $0x4000  }
0x41: {  	[sflag:s17] =	ssyncset.done $0x0  }
0x42: {  	[sflag:s17] =	ssyncadd.s32 $0xFFFFC000  }
0x43: {  	[spmem:s9] =	stream.linear.scatter [tilespmem:s16], [sflag:$0x2], $0x4000, $0x38;
	[tilespmem:$0x1E800] =	vst v63  }
.Ltmp3:
0x44: {  	_ =	swait.ge [sflag:s17], $0x4000;
	(pc) =	sbr.rel @!p0 .LBB2_4-.Ltmp3, $4  }
0x45: {  	[sflag:s17] =	ssyncset.done $0x0  }
0x46: {  	[sflag:s17] =	ssyncadd.s32 $0xFFFFC000  }
0x47: {  	[bflag:$0x0] =	sbarrier.arrive $0xFFFF  }
0x48: {  	s21 =	simm.s32 $0x0  }
0x49: {  	[tilespmem:s21], [sflag:$0x2] =	stream.linear.gather [hbm4b:s12+s21], $0x1C00, $0x38;
	[tilespmem:$0x1E800] =	vst v63  }
0x4a: {  	_ =	swait.ge [sflag:s17], $0x1C00  }
0x4b: {  	[sflag:s17] =	ssyncset.done $0x0  }
0x4c: {  	[sflag:s17] =	ssyncadd.s32 $0xFFFFE400  }
0x4d: {  	[tilespmem:s18], [sflag:$0x2] =	stream.linear.gather [hbm4b:s13+s21], $0x1C00, $0x38;
	[tilespmem:$0x1E800] =	vst v63  }
0x4e: {  	_ =	swait.ge [sflag:s17], $0x1C00  }
0x4f: {  	[sflag:s17] =	ssyncset.done $0x0  }
0x50: {  	s30 =	simm.s32 $0x0;
	[sflag:s17] =	ssyncadd.s32 $0xFFFFE400  }
0x51: {  	[tilespmem:s16], [sflag:$0x1] =	stream.indirect.gather [hbm4b:s4+s19], $0x80, s30, s19, $0xb8;
	[tilespmem:$0x1E800] =	vst v63  }
0x52: {  	_ =	swait.ge [sflag:s20], $0x4000  }
0x53: {  	[sflag:s20] =	ssyncset.done $0x0  }
0x54: {  	s31 =	simm.s32 $0x3400;
	[sflag:s20] =	ssyncadd.s32 $0xFFFFC000  }
0x55: {  	[spmem:s2] =	stream.indirect.scatter.add.f32 [tilespmem:s16], [sflag:$0x2], $0x80, s31, s19, $0xb8;
	[tilespmem:$0x1E800] =	vst v63  }
0x56: {  	_ =	swait.ge [sflag:s17], $0x4000  }
0x57: {  	s22 =	simm.s32 $0x400;
	s21 =	simm.s32 $0x200;
	[sflag:s17] =	ssyncset.done $0x0  }
.LBB2_8:
0x58: {  	s23 =	sshra.s32 s21, $0x2  }
0x59: {  	[sflag:s17] =	ssyncadd.s32 $0xFFFFC000;
	s21 =	smov.u32 s22;
	s24 =	sadd.s32 $0x200, s22  }
0x5a: {  	[tilespmem:s16], [sflag:$0x1] =	stream.indirect.gather [hbm4b:s4+s19], $0x80, s23, s19, $0xb8;
	[tilespmem:$0x1E800] =	vst v63  }
0x5b: {  	p1 =	sne.s32 s22, $0x6E00;
	_ =	swait.ge [sflag:s20], $0x4000  }
.Ltmp4:
0x5c: {  	[sflag:s20] =	ssyncset.done $0x0;
	(pc) =	sbr.rel @p1 .LBB2_8-.Ltmp4, $4  }
0x5d: {  	s22 =	sadd.s32 $0x3400, s23;
	[sflag:s20] =	ssyncadd.s32 $0xFFFFC000  }
0x5e: {  	[spmem:s2] =	stream.indirect.scatter.add.f32 [tilespmem:s16], [sflag:$0x2], $0x80, s22, s19, $0xb8;
	[tilespmem:$0x1E800] =	vst v63  }
0x5f: {  	_ =	swait.ge [sflag:s17], $0x4000  }
0x60: {  	s22 =	smov.u32 s24;
	[sflag:s17] =	ssyncset.done $0x0  }
0x61: {  	s21 =	sshra.s32 s21, $0x2;
	[sflag:s17] =	ssyncadd.s32 $0xFFFFC000  }
0x62: {  	[tilespmem:s16], [sflag:$0x1] =	stream.indirect.gather [hbm4b:s4+s19], $0x80, s21, s19, $0xb8;
	[tilespmem:$0x1E800] =	vst v63  }
0x63: {  	_ =	swait.ge [sflag:s20], $0x4000  }
0x64: {  	[sflag:s20] =	ssyncset.done $0x0  }
.Ltmp5:
0x65: {  	s21 =	sadd.s32 $0x3400, s21;
	[sflag:s20] =	ssyncadd.s32 $0xFFFFC000;
	(pc) =	sbr.rel .LBB2_10-.Ltmp5, $4  }
0x66: {  	[spmem:s2] =	stream.indirect.scatter.add.f32 [tilespmem:s16], [sflag:$0x2], $0x80, s21, s19, $0xb8;
	[tilespmem:$0x1E800] =	vst v63  }
0x67: {  	_ =	swait.ge [sflag:s17], $0x4000  }
0x68: {  	[sflag:s17] =	ssyncset.done $0x0  }
0x69: {  	[sflag:s17] =	ssyncadd.s32 $0xFFFFC000  }
.LBB2_4:
0x6a: {  	[tilespmem:s21], [sflag:$0x2] =	stream.linear.gather [hbm4b:s10+s21], $0x3400, $0x38;
	[tilespmem:$0x1E800] =	vst v63  }
0x6b: {  	_ =	swait.ge [sflag:s17], $0x3400  }
0x6c: {  	[sflag:s17] =	ssyncset.done $0x0  }
0x6d: {  	[sflag:s17] =	ssyncadd.s32 $0xFFFFCC00  }
0x6e: {  	[tilespmem:s18], [sflag:$0x2] =	stream.linear.gather [hbm4b:s11+s21], $0x3400, $0x38;
	[tilespmem:$0x1E800] =	vst v63  }
0x6f: {  	_ =	swait.ge [sflag:s17], $0x3400  }
0x70: {  	[sflag:s17] =	ssyncset.done $0x0  }
0x71: {  	s30 =	simm.s32 $0x0;
	[sflag:s17] =	ssyncadd.s32 $0xFFFFCC00  }
0x72: {  	[tilespmem:s16], [sflag:$0x1] =	stream.indirect.gather [hbm4b:s4+s19], $0x80, s30, s19, $0xb8;
	[tilespmem:$0x1E800] =	vst v63  }
0x73: {  	_ =	swait.ge [sflag:s20], $0x4000  }
0x74: {  	[sflag:s20] =	ssyncset.done $0x0  }
0x75: {  	s31 =	simm.s32 $0x3400;
	[sflag:s20] =	ssyncadd.s32 $0xFFFFC000  }
0x76: {  	[spmem:s2] =	stream.indirect.scatter.add.f32 [tilespmem:s16], [sflag:$0x2], $0x80, s31, s19, $0xb8;
	[tilespmem:$0x1E800] =	vst v63  }
0x77: {  	_ =	swait.ge [sflag:s17], $0x4000  }
0x78: {  	s22 =	simm.s32 $0x400;
	s21 =	simm.s32 $0x200;
	[sflag:s17] =	ssyncset.done $0x0  }
.LBB2_5:
0x79: {  	s23 =	sshra.s32 s21, $0x2  }
0x7a: {  	[sflag:s17] =	ssyncadd.s32 $0xFFFFC000;
	s21 =	smov.u32 s22;
	s24 =	sadd.s32 $0x200, s22  }
0x7b: {  	[tilespmem:s16], [sflag:$0x1] =	stream.indirect.gather [hbm4b:s4+s19], $0x80, s23, s19, $0xb8;
	[tilespmem:$0x1E800] =	vst v63  }
0x7c: {  	p1 =	seq.s32 s22, $0xCE00;
	_ =	swait.ge [sflag:s20], $0x4000  }
.Ltmp6:
0x7d: {  	[sflag:s20] =	ssyncset.done $0x0;
	(pc) =	sbr.rel @!p1 .LBB2_5-.Ltmp6, $4  }
0x7e: {  	s22 =	sadd.s32 $0x3400, s23;
	[sflag:s20] =	ssyncadd.s32 $0xFFFFC000  }
0x7f: {  	[spmem:s2] =	stream.indirect.scatter.add.f32 [tilespmem:s16], [sflag:$0x2], $0x80, s22, s19, $0xb8;
	[tilespmem:$0x1E800] =	vst v63  }
0x80: {  	_ =	swait.ge [sflag:s17], $0x4000  }
0x81: {  	s22 =	smov.u32 s24;
	[sflag:s17] =	ssyncset.done $0x0  }
.Ltmp7:
0x82: {  	_ = 	snop;
	(pc) =	sbr.rel .LBB2_6-.Ltmp7, $1  }
0x83: {  	_ =	sdelay $0x3  }
.LBB2_11:
0x84: {  	_ =	sfence.sel $0x180000  }
0x85: {  	[bflag:$0x0] =	sbarrier.arrive $0xFFFF  }
0x86: {  	p0 =	sne.s32 s1, $0x0;
	_ =	strace $0x9000004A  }
0x87: {  	s0 =	sadd.s32 @!p0 $0x100000, s0;
	[bflag:$0x2] =	sbarrier.arrive $0xFFFF  }
0x88: {  	[sflag:s0] =	ssyncadd.tile.s32 @!p0 $0x1;
	_ =	shalt  }
.Lfunc_end2:
_tile_overlayer_lowered:
.L_overlay_start_2:
0x89: {  	(tag) =	ssettag $0x2  }
0x8a: {  	s0 =	rddreg [dreg:$0x0];
	s2 =	stileid.u32  }
0x8b: {  	s1 =	rddreg [dreg:$0x1];
	p0 =	sne.s32 s2, $0x0  }
0x8c: {  	s3 =	rddreg [dreg:$0x2];
	[bflag:$0x3] =	sbarrier.arrive $0xFFFF;
	s2 =	simm.s32 @!p0 $0x1C02  }
0x8d: {  	[timem:s3], [sflag:s2] =	dma.local @!p0 [hbm:s0], s1  }
0x8e: {  	s0 =	simm.s32 @!p0 $0x2  }
0x8f: {  	_ =	swait.ge @!p0 [sflag:s0], s1  }
0x90: {  	s1 =	ssub.s32 @!p0 $0x0, s1;
	[sflag:s0] =	ssyncset.done @!p0 $0x0  }
0x91: {  	[sflag:s0] =	ssyncadd.s32 @!p0 s1  }
0x92: {  	[bflag:$0x3] =	sbarrier.arrive $0xFFFF  }
0x93: {  	_ =	shalt  }

</sc_bundles>
